<compile_context>
chip_gen: v7x
topology: tpu7x:2x2x1
jax: 0.10.2.dev20260603
libtpu: 0.0.44.dev20260713+nightly
codegen_flags: <defaults>
</compile_context>

<pallas_src>
import jax
import jax.numpy as jnp
from jax import lax
from jax.experimental import pallas as pl
from jax.experimental.pallas import tpu as pltpu
from jax.experimental.pallas import tpu_sc as plsc
from jax._src.pallas import mpmd as _mpmd

NROWS = 1_000_000
NFEAT = 16
NIDX = 16384
NC = 2
NS = 16
L = 16
NW = NC * NS
NCHUNKS = NIDX // L


def _body(x_hbm, idx_hbm, src_hbm, x_io,
          idx_v, pos_v, rowscr, rowidx, svidx, stage_x, stage_s, semA, semB):
    wid = (lax.axis_index("s") * NC + lax.axis_index("c")).astype(jnp.int32)
    iota = lax.iota(jnp.int32, L)

    pltpu.sync_copy(idx_hbm, idx_v)

    def scan1(i, k):
        r = idx_v[pl.ds(i * L, L)]
        m = (r & (NW - 1)) == wid
        plsc.store_compressed(pos_v.at[pl.ds(k, L)], i * L + iota, mask=m)
        return k + jnp.sum(m.astype(jnp.int32))

    k = lax.fori_loop(0, NCHUNKS, scan1, jnp.int32(0))
    nb = (k + (L - 1)) // L

    def batch_body(j, _):
        valid = (j * L + iota) < k
        pos = jnp.where(valid, pos_v[pl.ds(j * L, L)], 0)
        r = plsc.load_gather(idx_v, [pos])
        rowscr[...] = r
        rank, _last = plsc.scan_count(r, mask=valid)
        nr = jnp.max(jnp.where(valid, rank, 0))

        def round_body(rd, _):
            active = valid & (rank == rd)
            a = jnp.min(jnp.where(active, iota, L - 1))
            avec = jnp.full((L,), 0, jnp.int32) + a
            arow = plsc.load_gather(rowscr, [avec])
            rowidx[...] = jnp.where(active, r, arow)
            svidx[...] = jnp.where(active, pos, 0)
            g1 = pltpu.async_copy(x_io.at[rowidx], stage_x, semA)
            g2 = pltpu.async_copy(src_hbm.at[svidx], stage_s, semB)
            g1.wait()
            g2.wait()
            inact = jnp.logical_not(active)
            for f in range(NFEAT):
                fvec = jnp.full((L,), f, jnp.int32)
                colS = plsc.load_gather(stage_s, [iota, fvec])
                plsc.addupdate_scatter(stage_x, [iota, fvec], colS, mask=active)
                vf = plsc.load_gather(stage_x, [avec, fvec])
                plsc.store_scatter(stage_x, [iota, fvec], vf, mask=inact)
            pltpu.async_copy(stage_x, x_io.at[rowidx], semA).wait()
            return 0

        lax.fori_loop(0, nr + 1, round_body, 0)
        return 0

    lax.fori_loop(0, nb, batch_body, 0)


def _make_kernel():
    mesh = plsc.VectorSubcoreMesh(
        core_axis_name="c", subcore_axis_name="s", num_cores=NC, num_subcores=NS)
    return _mpmd._mpmd_map(
        [(mesh, _body)],
        jax.ShapeDtypeStruct((NROWS, NFEAT), jnp.float32),
        input_output_aliases={0: 0},
        compiler_params=pltpu.CompilerParams(
            needs_layout_passes=False, use_tc_tiling_on_sc=False),
        scratch_types=[
            pltpu.VMEM((NIDX,), jnp.int32),
            pltpu.VMEM((NIDX,), jnp.int32),
            pltpu.VMEM((L,), jnp.int32),
            pltpu.VMEM((L,), jnp.int32),
            pltpu.VMEM((L,), jnp.int32),
            pltpu.VMEM((L, NFEAT), jnp.float32),
            pltpu.VMEM((L, NFEAT), jnp.float32),
            pltpu.SemaphoreType.DMA,
            pltpu.SemaphoreType.DMA,
        ],
    )


def kernel(x, idx, src):
    idx32 = idx.astype(jnp.int32)
    return _make_kernel()(x, idx32, src)

# --- scband reference (transcript-rebuilt; emitter-appended) ---
"""Pipeline reference for scband-index-add-inplace-50543175139910 (READ-ONLY COPY).

The authoritative reference and input builder live on the scoring server;
editing this copy changes nothing except your own understanding.
"""

import jax, jax.numpy as jnp
import numpy as np

def setup_inputs(seed: int = 0) -> dict:
    key = jax.random.key(seed)
    k1, k2, k3 = jax.random.split(key, 3)
    x = jax.random.normal(k1, (1000000, 16), dtype=jnp.float32)
    idx = jax.random.randint(k2, (16384,), 0, 1000000, dtype=jnp.int64)
    src = jax.random.normal(k3, (16384, 16), dtype=jnp.float32)
    return {"x": x, "idx": idx, "src": src}

def reference(x, idx, src):
    # x.index_add_(0, idx, src): x[idx[i]] += src[i] along dim 0
    return x.at[idx].add(src)

if __name__ == "__main__":
    import jax
    _d = setup_inputs()
    print(jax.jit(kernel)(*tuple(_d.values())))

</pallas_src>

<mosaic_0001>
#map = affine_map<(d0, d1) -> (0, 0)>
#map1 = affine_map<(d0, d1) -> (0)>
module attributes {stable_mosaic.version = 14 : i64} {
  func.func @_body(%arg0: i32, %arg1: i32, %arg2: memref<1000000x16xf32, #tpu.memory_space<hbm>>, %arg3: memref<16384xi32, #tpu.memory_space<hbm>>, %arg4: memref<16384x16xf32, #tpu.memory_space<hbm>>, %arg5: memref<1000000x16xf32, #tpu.memory_space<hbm>>, %arg6: memref<16384xi32, #tpu.memory_space<vmem>>, %arg7: memref<16384xi32, #tpu.memory_space<vmem>>, %arg8: memref<16xi32, #tpu.memory_space<vmem>>, %arg9: memref<16xi32, #tpu.memory_space<vmem>>, %arg10: memref<16xi32, #tpu.memory_space<vmem>>, %arg11: memref<16x16xf32, #tpu.memory_space<vmem>>, %arg12: memref<16x16xf32, #tpu.memory_space<vmem>>, %arg13: memref<!tpu.dma_semaphore, #tpu.memory_space<semaphore_mem>>, %arg14: memref<!tpu.dma_semaphore, #tpu.memory_space<semaphore_mem>>) attributes {dimension_semantics = [#tpu.dimension_semantics<core_parallel>, #tpu.dimension_semantics<subcore_parallel>], iteration_bounds = array<i64: 2, 16>, scalar_prefetch = 0 : i64, scratch_operands = 9 : i64, tpu.core_type = #tpu.core_type<sc_vector_subcore>, window_params = [{transform_indices = #map}, {transform_indices = #map1}, {transform_indices = #map}, {transform_indices = #map}]} {
    %mul3A = arith.constant 2 : i32
    %mul3A_0 = arith.muli %arg1, %mul3A : i32
    %add3A = arith.addi %mul3A_0, %arg0 : i32
    %iota3A = tpu.iota {dimensions = array<i32: 0>} : vector<16xi32>
    "tpu.region"() ({
      %run_scoped3A = tpu.sem_alloc : memref<!tpu.dma_semaphore, #tpu.memory_space<semaphore_mem>>
      tpu.enqueue_dma source(%arg3 : memref<16384xi32, #tpu.memory_space<hbm>>) target(%arg6 : memref<16384xi32, #tpu.memory_space<vmem>>) target_semaphore(%run_scoped3A : memref<!tpu.dma_semaphore, #tpu.memory_space<semaphore_mem>>)
      tpu.wait_dma2 semaphore(%run_scoped3A : memref<!tpu.dma_semaphore, #tpu.memory_space<semaphore_mem>>) src(%arg3 : memref<16384xi32, #tpu.memory_space<hbm>>) dst(%arg6 : memref<16384xi32, #tpu.memory_space<vmem>>)
      tpu.yield
    }) : () -> ()
    %scan3A = arith.constant 0 : i32
    %scan3A_1 = arith.constant 0 : i32
    %scan3A_2 = arith.constant 1024 : i32
    %scan3A_3 = arith.addi %scan3A_1, %scan3A_2 : i32
    %scan3A_4 = arith.constant 1 : i32
    %scan3A_5 = scf.for %scan3A_36 = %scan3A_1 to %scan3A_3 step %scan3A_4 iter_args(%scan3A_37 = %scan3A) -> (i32)  : i32 {
      %mul3A_38 = arith.constant 16 : i32
      %mul3A_39 = arith.muli %scan3A_36, %mul3A_38 : i32
      %get3A = arith.index_cast %mul3A_39 : i32 to index
      %get3A_40 = tpu.vector_load %arg6[%get3A] {strides = array<i32>} : memref<16384xi32, #tpu.memory_space<vmem>>, vector<16xi32>,
      %and3A_41 = arith.constant 31 : i32
      %and3A_42 = vector.broadcast %and3A_41 : i32 to vector<16xi32>
      %and3A_43 = arith.andi %get3A_40, %and3A_42 : vector<16xi32>
      %eq3A = vector.broadcast %add3A : i32 to vector<16xi32>
      %eq3A_44 = arith.cmpi eq, %and3A_43, %eq3A : vector<16xi32>
      %mul3A_45 = arith.constant 16 : i32
      %mul3A_46 = arith.muli %scan3A_36, %mul3A_45 : i32
      %add3A_47 = vector.broadcast %mul3A_46 : i32 to vector<16xi32>
      %add3A_48 = arith.addi %add3A_47, %iota3A : vector<16xi32>
      %swap3A = arith.index_cast %scan3A_37 : i32 to index
      %swap3A_49 = tpu.vector_load %arg7[%swap3A] masked %eq3A_44 {strides = array<i32>} : memref<16384xi32, #tpu.memory_space<vmem>>, vector<16xi32>, vector<16xi1>
      tpu.vector_store %arg7[%swap3A], %add3A_48 masked %eq3A_44 {strides = array<i32>} : memref<16384xi32, #tpu.memory_space<vmem>>, vector<16xi32>, vector<16xi1>
      %convert_element_type3A = arith.extui %eq3A_44 : vector<16xi1> to vector<16xi32>
      %reduce_sum3A = arith.constant true
      %reduce_sum3A_50 = vector.broadcast %reduce_sum3A : i1 to vector<16xi1>
      %reduce_sum3A_51 = tpu.scan <sum>, %convert_element_type3A masked %reduce_sum3A_50 : vector<16xi32>, vector<16xi1> -> vector<16xi32>
      %reduce_sum3A_52 = vector.extract %reduce_sum3A_51[15] : i32 from vector<16xi32>
      %add3A_53 = arith.addi %scan3A_37, %reduce_sum3A_52 : i32
      scf.yield %add3A_53 : i32
    }
    %scan3A_6 = arith.constant 1024 : i32
    %add3A_7 = arith.constant 15 : i32
    %add3A_8 = arith.addi %scan3A_5, %add3A_7 : i32
    %jit3A = arith.constant 16 : i32
    %div3A = arith.divsi %add3A_8, %jit3A : i32
    %sign3A = arith.constant 0 : i32
    %sign3A_9 = arith.cmpi sgt, %add3A_8, %sign3A : i32
    %sign3A_10 = arith.extui %sign3A_9 : i1 to i32
    %sign3A_11 = arith.constant 0 : i32
    %sign3A_12 = arith.cmpi slt, %add3A_8, %sign3A_11 : i32
    %sign3A_13 = arith.extui %sign3A_12 : i1 to i32
    %sign3A_14 = arith.subi %sign3A_10, %sign3A_13 : i32
    %sign3A_15 = arith.constant 0 : i32
    %sign3A_16 = arith.cmpi sgt, %jit3A, %sign3A_15 : i32
    %sign3A_17 = arith.extui %sign3A_16 : i1 to i32
    %sign3A_18 = arith.constant 0 : i32
    %sign3A_19 = arith.cmpi slt, %jit3A, %sign3A_18 : i32
    %sign3A_20 = arith.extui %sign3A_19 : i1 to i32
    %sign3A_21 = arith.subi %sign3A_17, %sign3A_20 : i32
    %ne3A = arith.cmpi ne, %sign3A_14, %sign3A_21 : i32
    %rem3A = arith.remsi %add3A_8, %jit3A : i32
    %ne3A_22 = arith.constant 0 : i32
    %ne3A_23 = arith.cmpi ne, %rem3A, %ne3A_22 : i32
    %and3A = arith.andi %ne3A, %ne3A_23 : i1
    %sub3A = arith.constant 1 : i32
    %sub3A_24 = arith.subi %div3A, %sub3A : i32
    %select_n3A = arith.select %and3A, %sub3A_24, %div3A : i32
    %while3A = arith.constant 0 : i32
    %while3A_25 = arith.constant 0 : i32
    %while3A_26 = arith.subi %select_n3A, %while3A : i32
    %while3A_27 = arith.addi %while3A, %while3A_26 : i32
    %while3A_28 = arith.constant 1 : i32
    %while3A_29 = arith.divsi %while3A_26, %while3A_28 : i32
    %while3A_30 = arith.muli %while3A_29, %while3A_28 : i32
    %while3A_31 = arith.addi %while3A, %while3A_30 : i32
    %while3A_32 = arith.constant 1 : i32
    %while3A_33 = scf.for %while3A_36 = %while3A to %while3A_31 step %while3A_32 iter_args(%while3A_37 = %while3A_25) -> (i32)  : i32 {
      %mul3A_38 = arith.constant 16 : i32
      %mul3A_39 = arith.muli %while3A_36, %mul3A_38 : i32
      %add3A_40 = vector.broadcast %mul3A_39 : i32 to vector<16xi32>
      %add3A_41 = arith.addi %add3A_40, %iota3A : vector<16xi32>
      %lt3A = vector.broadcast %scan3A_5 : i32 to vector<16xi32>
      %lt3A_42 = arith.cmpi slt, %add3A_41, %lt3A : vector<16xi32>
      %mul3A_43 = arith.constant 16 : i32
      %mul3A_44 = arith.muli %while3A_36, %mul3A_43 : i32
      %get3A = arith.index_cast %mul3A_44 : i32 to index
      %get3A_45 = tpu.vector_load %arg7[%get3A] {strides = array<i32>} : memref<16384xi32, #tpu.memory_space<vmem>>, vector<16xi32>,
      %jit3A_46 = arith.constant 0 : i32
      %broadcast_in_dim3A = vector.broadcast %jit3A_46 : i32 to vector<16xi32>
      %select_n3A_47 = arith.select %lt3A_42, %get3A_45, %broadcast_in_dim3A : vector<16xi1>, vector<16xi32>
      %gather3A = tpu.vector_load_idx %arg6[%select_n3A_47] : memref<16384xi32, #tpu.memory_space<vmem>>[vector<16xi32>], vector<16xi32>,
      %swap3A = arith.constant 0 : index
      %swap3A_48 = tpu.vector_load %arg8[%swap3A] {strides = array<i32>} : memref<16xi32, #tpu.memory_space<vmem>>, vector<16xi32>,
      tpu.vector_store %arg8[%swap3A], %gather3A {strides = array<i32>} : memref<16xi32, #tpu.memory_space<vmem>>, vector<16xi32>,
      %unique3A, %unique3A_49 = tpu.scan_count mask(%lt3A_42 : vector<16xi1>) value(%gather3A : vector<16xi32>) : vector<16xi1>, vector<16xi32>
      %jit3A_50 = arith.constant 0 : i32
      %broadcast_in_dim3A_51 = vector.broadcast %jit3A_50 : i32 to vector<16xi32>
      %select_n3A_52 = arith.select %lt3A_42, %unique3A_49, %broadcast_in_dim3A_51 : vector<16xi1>, vector<16xi32>
      %reduce_max3A = arith.constant true
      %reduce_max3A_53 = vector.broadcast %reduce_max3A : i1 to vector<16xi1>
      %reduce_max3A_54 = arith.constant -2147483648 : i32
      %reduce_max3A_55 = vector.broadcast %reduce_max3A_54 : i32 to vector<16xi32>
      %reduce_max3A_56 = arith.xori %select_n3A_52, %reduce_max3A_55 : vector<16xi32>
      %reduce_max3A_57 = tpu.scan <max>, %reduce_max3A_56 masked %reduce_max3A_53 : vector<16xi32>, vector<16xi1> -> vector<16xi32>
      %reduce_max3A_58 = arith.xori %reduce_max3A_57, %reduce_max3A_55 : vector<16xi32>
      %reduce_max3A_59 = vector.extract %reduce_max3A_58[15] : i32 from vector<16xi32>
      %add3A_60 = arith.constant 1 : i32
      %add3A_61 = arith.addi %reduce_max3A_59, %add3A_60 : i32
      %while3A_62 = arith.constant 0 : i32
      %while3A_63 = arith.constant 0 : i32
      %while3A_64 = arith.subi %add3A_61, %while3A_62 : i32
      %while3A_65 = arith.addi %while3A_62, %while3A_64 : i32
      %while3A_66 = arith.constant 1 : i32
      %while3A_67 = arith.divsi %while3A_64, %while3A_66 : i32
      %while3A_68 = arith.muli %while3A_67, %while3A_66 : i32
      %while3A_69 = arith.addi %while3A_62, %while3A_68 : i32
      %while3A_70 = arith.constant 1 : i32
      %while3A_71 = scf.for %while3A_75 = %while3A_62 to %while3A_69 step %while3A_70 iter_args(%while3A_76 = %while3A_63) -> (i32)  : i32 {
        %eq3A = vector.broadcast %while3A_75 : i32 to vector<16xi32>
        %eq3A_77 = arith.cmpi eq, %unique3A_49, %eq3A : vector<16xi32>
        %and3A_78 = arith.andi %lt3A_42, %eq3A_77 : vector<16xi1>
        %jit3A_79 = arith.constant 15 : i32
        %broadcast_in_dim3A_80 = vector.broadcast %jit3A_79 : i32 to vector<16xi32>
        %select_n3A_81 = arith.select %and3A_78, %iota3A, %broadcast_in_dim3A_80 : vector<16xi1>, vector<16xi32>
        %reduce_min3A = arith.constant true
        %reduce_min3A_82 = vector.broadcast %reduce_min3A : i1 to vector<16xi1>
        %reduce_min3A_83 = arith.constant -2147483648 : i32
        %reduce_min3A_84 = vector.broadcast %reduce_min3A_83 : i32 to vector<16xi32>
        %reduce_min3A_85 = arith.xori %select_n3A_81, %reduce_min3A_84 : vector<16xi32>
        %reduce_min3A_86 = tpu.scan <min>, %reduce_min3A_85 masked %reduce_min3A_82 : vector<16xi32>, vector<16xi1> -> vector<16xi32>
        %reduce_min3A_87 = arith.xori %reduce_min3A_86, %reduce_min3A_84 : vector<16xi32>
        %reduce_min3A_88 = vector.extract %reduce_min3A_87[15] : i32 from vector<16xi32>
        %broadcast_in_dim3A_89 = arith.constant 0 : i32
        %broadcast_in_dim3A_90 = vector.broadcast %broadcast_in_dim3A_89 : i32 to vector<16xi32>
        %add3A_91 = vector.broadcast %reduce_min3A_88 : i32 to vector<16xi32>
        %add3A_92 = arith.addi %broadcast_in_dim3A_90, %add3A_91 : vector<16xi32>
        %gather3A_93 = tpu.vector_load_idx %arg8[%add3A_92] : memref<16xi32, #tpu.memory_space<vmem>>[vector<16xi32>], vector<16xi32>,
        %select_n3A_94 = arith.select %and3A_78, %gather3A, %gather3A_93 : vector<16xi1>, vector<16xi32>
        %swap3A_95 = arith.constant 0 : index
        %swap3A_96 = tpu.vector_load %arg9[%swap3A_95] {strides = array<i32>} : memref<16xi32, #tpu.memory_space<vmem>>, vector<16xi32>,
        tpu.vector_store %arg9[%swap3A_95], %select_n3A_94 {strides = array<i32>} : memref<16xi32, #tpu.memory_space<vmem>>, vector<16xi32>,
        %jit3A_97 = arith.constant 0 : i32
        %broadcast_in_dim3A_98 = vector.broadcast %jit3A_97 : i32 to vector<16xi32>
        %select_n3A_99 = arith.select %and3A_78, %select_n3A_47, %broadcast_in_dim3A_98 : vector<16xi1>, vector<16xi32>
        %swap3A_100 = arith.constant 0 : index
        %swap3A_101 = tpu.vector_load %arg10[%swap3A_100] {strides = array<i32>} : memref<16xi32, #tpu.memory_space<vmem>>, vector<16xi32>,
        tpu.vector_store %arg10[%swap3A_100], %select_n3A_99 {strides = array<i32>} : memref<16xi32, #tpu.memory_space<vmem>>, vector<16xi32>,
        %dma_start3A = arith.constant 0 : i32
        %dma_start3A_102 = arith.constant 0 : i32
        %dma_start3A_103 = tpu.memref_slice %arg5[%dma_start3A, %dma_start3A_102] : memref<1000000x16xf32, #tpu.memory_space<hbm>> -> memref<1000000x16xf32, #tpu.memory_space<hbm>>
        tpu.enqueue_indirect_dma source(%dma_start3A_103 : memref<1000000x16xf32, #tpu.memory_space<hbm>>) target(%arg11 : memref<16x16xf32, #tpu.memory_space<vmem>>) offsets(%arg9 : memref<16xi32, #tpu.memory_space<vmem>>) semaphore(%arg13 : memref<!tpu.dma_semaphore, #tpu.memory_space<semaphore_mem>>)
        %dma_start3A_104 = arith.constant 0 : i32
        %dma_start3A_105 = arith.constant 0 : i32
        %dma_start3A_106 = tpu.memref_slice %arg4[%dma_start3A_104, %dma_start3A_105] : memref<16384x16xf32, #tpu.memory_space<hbm>> -> memref<16384x16xf32, #tpu.memory_space<hbm>>
        tpu.enqueue_indirect_dma source(%dma_start3A_106 : memref<16384x16xf32, #tpu.memory_space<hbm>>) target(%arg12 : memref<16x16xf32, #tpu.memory_space<vmem>>) offsets(%arg10 : memref<16xi32, #tpu.memory_space<vmem>>) semaphore(%arg14 : memref<!tpu.dma_semaphore, #tpu.memory_space<semaphore_mem>>)
        %dma_wait3A = arith.constant 0 : i32
        %dma_wait3A_107 = arith.constant 0 : i32
        %dma_wait3A_108 = tpu.memref_slice %arg5[%dma_wait3A, %dma_wait3A_107] : memref<1000000x16xf32, #tpu.memory_space<hbm>> -> memref<1000000x16xf32, #tpu.memory_space<hbm>>
        tpu.wait_indirect_dma semaphore(%arg13 : memref<!tpu.dma_semaphore, #tpu.memory_space<semaphore_mem>>) src(%dma_wait3A_108 : memref<1000000x16xf32, #tpu.memory_space<hbm>>) dst(%arg11 : memref<16x16xf32, #tpu.memory_space<vmem>>)
        %dma_wait3A_109 = arith.constant 0 : i32
        %dma_wait3A_110 = arith.constant 0 : i32
        %dma_wait3A_111 = tpu.memref_slice %arg4[%dma_wait3A_109, %dma_wait3A_110] : memref<16384x16xf32, #tpu.memory_space<hbm>> -> memref<16384x16xf32, #tpu.memory_space<hbm>>
        tpu.wait_indirect_dma semaphore(%arg14 : memref<!tpu.dma_semaphore, #tpu.memory_space<semaphore_mem>>) src(%dma_wait3A_111 : memref<16384x16xf32, #tpu.memory_space<hbm>>) dst(%arg12 : memref<16x16xf32, #tpu.memory_space<vmem>>)
        %not3A = arith.constant dense<true> : vector<16xi1>
        %not3A_112 = arith.xori %and3A_78, %not3A : vector<16xi1>
        %broadcast_in_dim3A_113 = arith.constant 0 : i32
        %broadcast_in_dim3A_114 = vector.broadcast %broadcast_in_dim3A_113 : i32 to vector<16xi32>
        %gather3A_115 = tpu.vector_load_idx %arg12[%iota3A, %broadcast_in_dim3A_114] : memref<16x16xf32, #tpu.memory_space<vmem>>[vector<16xi32>, vector<16xi32>], vector<16xf32>,
        tpu.vector_store_idx %arg11[%iota3A, %broadcast_in_dim3A_114], %gather3A_115 masked %and3A_78 {add = true} : memref<16x16xf32, #tpu.memory_space<vmem>>[vector<16xi32>, vector<16xi32>], vector<16xf32>, vector<16xi1>
        %gather3A_116 = tpu.vector_load_idx %arg11[%add3A_92, %broadcast_in_dim3A_114] : memref<16x16xf32, #tpu.memory_space<vmem>>[vector<16xi32>, vector<16xi32>], vector<16xf32>,
        tpu.vector_store_idx %arg11[%iota3A, %broadcast_in_dim3A_114], %gather3A_116 masked %not3A_112 : memref<16x16xf32, #tpu.memory_space<vmem>>[vector<16xi32>, vector<16xi32>], vector<16xf32>, vector<16xi1>
        %broadcast_in_dim3A_117 = arith.constant 1 : i32
        %broadcast_in_dim3A_118 = vector.broadcast %broadcast_in_dim3A_117 : i32 to vector<16xi32>
        %gather3A_119 = tpu.vector_load_idx %arg12[%iota3A, %broadcast_in_dim3A_118] : memref<16x16xf32, #tpu.memory_space<vmem>>[vector<16xi32>, vector<16xi32>], vector<16xf32>,
        tpu.vector_store_idx %arg11[%iota3A, %broadcast_in_dim3A_118], %gather3A_119 masked %and3A_78 {add = true} : memref<16x16xf32, #tpu.memory_space<vmem>>[vector<16xi32>, vector<16xi32>], vector<16xf32>, vector<16xi1>
        %gather3A_120 = tpu.vector_load_idx %arg11[%add3A_92, %broadcast_in_dim3A_118] : memref<16x16xf32, #tpu.memory_space<vmem>>[vector<16xi32>, vector<16xi32>], vector<16xf32>,
        tpu.vector_store_idx %arg11[%iota3A, %broadcast_in_dim3A_118], %gather3A_120 masked %not3A_112 : memref<16x16xf32, #tpu.memory_space<vmem>>[vector<16xi32>, vector<16xi32>], vector<16xf32>, vector<16xi1>
        %broadcast_in_dim3A_121 = arith.constant 2 : i32
        %broadcast_in_dim3A_122 = vector.broadcast %broadcast_in_dim3A_121 : i32 to vector<16xi32>
        %gather3A_123 = tpu.vector_load_idx %arg12[%iota3A, %broadcast_in_dim3A_122] : memref<16x16xf32, #tpu.memory_space<vmem>>[vector<16xi32>, vector<16xi32>], vector<16xf32>,
        tpu.vector_store_idx %arg11[%iota3A, %broadcast_in_dim3A_122], %gather3A_123 masked %and3A_78 {add = true} : memref<16x16xf32, #tpu.memory_space<vmem>>[vector<16xi32>, vector<16xi32>], vector<16xf32>, vector<16xi1>
        %gather3A_124 = tpu.vector_load_idx %arg11[%add3A_92, %broadcast_in_dim3A_122] : memref<16x16xf32, #tpu.memory_space<vmem>>[vector<16xi32>, vector<16xi32>], vector<16xf32>,
        tpu.vector_store_idx %arg11[%iota3A, %broadcast_in_dim3A_122], %gather3A_124 masked %not3A_112 : memref<16x16xf32, #tpu.memory_space<vmem>>[vector<16xi32>, vector<16xi32>], vector<16xf32>, vector<16xi1>
        %broadcast_in_dim3A_125 = arith.constant 3 : i32
        %broadcast_in_dim3A_126 = vector.broadcast %broadcast_in_dim3A_125 : i32 to vector<16xi32>
        %gather3A_127 = tpu.vector_load_idx %arg12[%iota3A, %broadcast_in_dim3A_126] : memref<16x16xf32, #tpu.memory_space<vmem>>[vector<16xi32>, vector<16xi32>], vector<16xf32>,
        tpu.vector_store_idx %arg11[%iota3A, %broadcast_in_dim3A_126], %gather3A_127 masked %and3A_78 {add = true} : memref<16x16xf32, #tpu.memory_space<vmem>>[vector<16xi32>, vector<16xi32>], vector<16xf32>, vector<16xi1>
        %gather3A_128 = tpu.vector_load_idx %arg11[%add3A_92, %broadcast_in_dim3A_126] : memref<16x16xf32, #tpu.memory_space<vmem>>[vector<16xi32>, vector<16xi32>], vector<16xf32>,
        tpu.vector_store_idx %arg11[%iota3A, %broadcast_in_dim3A_126], %gather3A_128 masked %not3A_112 : memref<16x16xf32, #tpu.memory_space<vmem>>[vector<16xi32>, vector<16xi32>], vector<16xf32>, vector<16xi1>
        %broadcast_in_dim3A_129 = arith.constant 4 : i32
        %broadcast_in_dim3A_130 = vector.broadcast %broadcast_in_dim3A_129 : i32 to vector<16xi32>
        %gather3A_131 = tpu.vector_load_idx %arg12[%iota3A, %broadcast_in_dim3A_130] : memref<16x16xf32, #tpu.memory_space<vmem>>[vector<16xi32>, vector<16xi32>], vector<16xf32>,
        tpu.vector_store_idx %arg11[%iota3A, %broadcast_in_dim3A_130], %gather3A_131 masked %and3A_78 {add = true} : memref<16x16xf32, #tpu.memory_space<vmem>>[vector<16xi32>, vector<16xi32>], vector<16xf32>, vector<16xi1>
        %gather3A_132 = tpu.vector_load_idx %arg11[%add3A_92, %broadcast_in_dim3A_130] : memref<16x16xf32, #tpu.memory_space<vmem>>[vector<16xi32>, vector<16xi32>], vector<16xf32>,
        tpu.vector_store_idx %arg11[%iota3A, %broadcast_in_dim3A_130], %gather3A_132 masked %not3A_112 : memref<16x16xf32, #tpu.memory_space<vmem>>[vector<16xi32>, vector<16xi32>], vector<16xf32>, vector<16xi1>
        %broadcast_in_dim3A_133 = arith.constant 5 : i32
        %broadcast_in_dim3A_134 = vector.broadcast %broadcast_in_dim3A_133 : i32 to vector<16xi32>
        %gather3A_135 = tpu.vector_load_idx %arg12[%iota3A, %broadcast_in_dim3A_134] : memref<16x16xf32, #tpu.memory_space<vmem>>[vector<16xi32>, vector<16xi32>], vector<16xf32>,
        tpu.vector_store_idx %arg11[%iota3A, %broadcast_in_dim3A_134], %gather3A_135 masked %and3A_78 {add = true} : memref<16x16xf32, #tpu.memory_space<vmem>>[vector<16xi32>, vector<16xi32>], vector<16xf32>, vector<16xi1>
        %gather3A_136 = tpu.vector_load_idx %arg11[%add3A_92, %broadcast_in_dim3A_134] : memref<16x16xf32, #tpu.memory_space<vmem>>[vector<16xi32>, vector<16xi32>], vector<16xf32>,
        tpu.vector_store_idx %arg11[%iota3A, %broadcast_in_dim3A_134], %gather3A_136 masked %not3A_112 : memref<16x16xf32, #tpu.memory_space<vmem>>[vector<16xi32>, vector<16xi32>], vector<16xf32>, vector<16xi1>
        %broadcast_in_dim3A_137 = arith.constant 6 : i32
        %broadcast_in_dim3A_138 = vector.broadcast %broadcast_in_dim3A_137 : i32 to vector<16xi32>
        %gather3A_139 = tpu.vector_load_idx %arg12[%iota3A, %broadcast_in_dim3A_138] : memref<16x16xf32, #tpu.memory_space<vmem>>[vector<16xi32>, vector<16xi32>], vector<16xf32>,
        tpu.vector_store_idx %arg11[%iota3A, %broadcast_in_dim3A_138], %gather3A_139 masked %and3A_78 {add = true} : memref<16x16xf32, #tpu.memory_space<vmem>>[vector<16xi32>, vector<16xi32>], vector<16xf32>, vector<16xi1>
        %gather3A_140 = tpu.vector_load_idx %arg11[%add3A_92, %broadcast_in_dim3A_138] : memref<16x16xf32, #tpu.memory_space<vmem>>[vector<16xi32>, vector<16xi32>], vector<16xf32>,
        tpu.vector_store_idx %arg11[%iota3A, %broadcast_in_dim3A_138], %gather3A_140 masked %not3A_112 : memref<16x16xf32, #tpu.memory_space<vmem>>[vector<16xi32>, vector<16xi32>], vector<16xf32>, vector<16xi1>
        %broadcast_in_dim3A_141 = arith.constant 7 : i32
        %broadcast_in_dim3A_142 = vector.broadcast %broadcast_in_dim3A_141 : i32 to vector<16xi32>
        %gather3A_143 = tpu.vector_load_idx %arg12[%iota3A, %broadcast_in_dim3A_142] : memref<16x16xf32, #tpu.memory_space<vmem>>[vector<16xi32>, vector<16xi32>], vector<16xf32>,
        tpu.vector_store_idx %arg11[%iota3A, %broadcast_in_dim3A_142], %gather3A_143 masked %and3A_78 {add = true} : memref<16x16xf32, #tpu.memory_space<vmem>>[vector<16xi32>, vector<16xi32>], vector<16xf32>, vector<16xi1>
        %gather3A_144 = tpu.vector_load_idx %arg11[%add3A_92, %broadcast_in_dim3A_142] : memref<16x16xf32, #tpu.memory_space<vmem>>[vector<16xi32>, vector<16xi32>], vector<16xf32>,
        tpu.vector_store_idx %arg11[%iota3A, %broadcast_in_dim3A_142], %gather3A_144 masked %not3A_112 : memref<16x16xf32, #tpu.memory_space<vmem>>[vector<16xi32>, vector<16xi32>], vector<16xf32>, vector<16xi1>
        %broadcast_in_dim3A_145 = arith.constant 8 : i32
        %broadcast_in_dim3A_146 = vector.broadcast %broadcast_in_dim3A_145 : i32 to vector<16xi32>
        %gather3A_147 = tpu.vector_load_idx %arg12[%iota3A, %broadcast_in_dim3A_146] : memref<16x16xf32, #tpu.memory_space<vmem>>[vector<16xi32>, vector<16xi32>], vector<16xf32>,
        tpu.vector_store_idx %arg11[%iota3A, %broadcast_in_dim3A_146], %gather3A_147 masked %and3A_78 {add = true} : memref<16x16xf32, #tpu.memory_space<vmem>>[vector<16xi32>, vector<16xi32>], vector<16xf32>, vector<16xi1>
        %gather3A_148 = tpu.vector_load_idx %arg11[%add3A_92, %broadcast_in_dim3A_146] : memref<16x16xf32, #tpu.memory_space<vmem>>[vector<16xi32>, vector<16xi32>], vector<16xf32>,
        tpu.vector_store_idx %arg11[%iota3A, %broadcast_in_dim3A_146], %gather3A_148 masked %not3A_112 : memref<16x16xf32, #tpu.memory_space<vmem>>[vector<16xi32>, vector<16xi32>], vector<16xf32>, vector<16xi1>
        %broadcast_in_dim3A_149 = arith.constant 9 : i32
        %broadcast_in_dim3A_150 = vector.broadcast %broadcast_in_dim3A_149 : i32 to vector<16xi32>
        %gather3A_151 = tpu.vector_load_idx %arg12[%iota3A, %broadcast_in_dim3A_150] : memref<16x16xf32, #tpu.memory_space<vmem>>[vector<16xi32>, vector<16xi32>], vector<16xf32>,
        tpu.vector_store_idx %arg11[%iota3A, %broadcast_in_dim3A_150], %gather3A_151 masked %and3A_78 {add = true} : memref<16x16xf32, #tpu.memory_space<vmem>>[vector<16xi32>, vector<16xi32>], vector<16xf32>, vector<16xi1>
        %gather3A_152 = tpu.vector_load_idx %arg11[%add3A_92, %broadcast_in_dim3A_150] : memref<16x16xf32, #tpu.memory_space<vmem>>[vector<16xi32>, vector<16xi32>], vector<16xf32>,
        tpu.vector_store_idx %arg11[%iota3A, %broadcast_in_dim3A_150], %gather3A_152 masked %not3A_112 : memref<16x16xf32, #tpu.memory_space<vmem>>[vector<16xi32>, vector<16xi32>], vector<16xf32>, vector<16xi1>
        %broadcast_in_dim3A_153 = arith.constant 10 : i32
        %broadcast_in_dim3A_154 = vector.broadcast %broadcast_in_dim3A_153 : i32 to vector<16xi32>
        %gather3A_155 = tpu.vector_load_idx %arg12[%iota3A, %broadcast_in_dim3A_154] : memref<16x16xf32, #tpu.memory_space<vmem>>[vector<16xi32>, vector<16xi32>], vector<16xf32>,
        tpu.vector_store_idx %arg11[%iota3A, %broadcast_in_dim3A_154], %gather3A_155 masked %and3A_78 {add = true} : memref<16x16xf32, #tpu.memory_space<vmem>>[vector<16xi32>, vector<16xi32>], vector<16xf32>, vector<16xi1>
        %gather3A_156 = tpu.vector_load_idx %arg11[%add3A_92, %broadcast_in_dim3A_154] : memref<16x16xf32, #tpu.memory_space<vmem>>[vector<16xi32>, vector<16xi32>], vector<16xf32>,
        tpu.vector_store_idx %arg11[%iota3A, %broadcast_in_dim3A_154], %gather3A_156 masked %not3A_112 : memref<16x16xf32, #tpu.memory_space<vmem>>[vector<16xi32>, vector<16xi32>], vector<16xf32>, vector<16xi1>
        %broadcast_in_dim3A_157 = arith.constant 11 : i32
        %broadcast_in_dim3A_158 = vector.broadcast %broadcast_in_dim3A_157 : i32 to vector<16xi32>
        %gather3A_159 = tpu.vector_load_idx %arg12[%iota3A, %broadcast_in_dim3A_158] : memref<16x16xf32, #tpu.memory_space<vmem>>[vector<16xi32>, vector<16xi32>], vector<16xf32>,
        tpu.vector_store_idx %arg11[%iota3A, %broadcast_in_dim3A_158], %gather3A_159 masked %and3A_78 {add = true} : memref<16x16xf32, #tpu.memory_space<vmem>>[vector<16xi32>, vector<16xi32>], vector<16xf32>, vector<16xi1>
        %gather3A_160 = tpu.vector_load_idx %arg11[%add3A_92, %broadcast_in_dim3A_158] : memref<16x16xf32, #tpu.memory_space<vmem>>[vector<16xi32>, vector<16xi32>], vector<16xf32>,
        tpu.vector_store_idx %arg11[%iota3A, %broadcast_in_dim3A_158], %gather3A_160 masked %not3A_112 : memref<16x16xf32, #tpu.memory_space<vmem>>[vector<16xi32>, vector<16xi32>], vector<16xf32>, vector<16xi1>
        %broadcast_in_dim3A_161 = arith.constant 12 : i32
        %broadcast_in_dim3A_162 = vector.broadcast %broadcast_in_dim3A_161 : i32 to vector<16xi32>
        %gather3A_163 = tpu.vector_load_idx %arg12[%iota3A, %broadcast_in_dim3A_162] : memref<16x16xf32, #tpu.memory_space<vmem>>[vector<16xi32>, vector<16xi32>], vector<16xf32>,
        tpu.vector_store_idx %arg11[%iota3A, %broadcast_in_dim3A_162], %gather3A_163 masked %and3A_78 {add = true} : memref<16x16xf32, #tpu.memory_space<vmem>>[vector<16xi32>, vector<16xi32>], vector<16xf32>, vector<16xi1>
        %gather3A_164 = tpu.vector_load_idx %arg11[%add3A_92, %broadcast_in_dim3A_162] : memref<16x16xf32, #tpu.memory_space<vmem>>[vector<16xi32>, vector<16xi32>], vector<16xf32>,
        tpu.vector_store_idx %arg11[%iota3A, %broadcast_in_dim3A_162], %gather3A_164 masked %not3A_112 : memref<16x16xf32, #tpu.memory_space<vmem>>[vector<16xi32>, vector<16xi32>], vector<16xf32>, vector<16xi1>
        %broadcast_in_dim3A_165 = arith.constant 13 : i32
        %broadcast_in_dim3A_166 = vector.broadcast %broadcast_in_dim3A_165 : i32 to vector<16xi32>
        %gather3A_167 = tpu.vector_load_idx %arg12[%iota3A, %broadcast_in_dim3A_166] : memref<16x16xf32, #tpu.memory_space<vmem>>[vector<16xi32>, vector<16xi32>], vector<16xf32>,
        tpu.vector_store_idx %arg11[%iota3A, %broadcast_in_dim3A_166], %gather3A_167 masked %and3A_78 {add = true} : memref<16x16xf32, #tpu.memory_space<vmem>>[vector<16xi32>, vector<16xi32>], vector<16xf32>, vector<16xi1>
        %gather3A_168 = tpu.vector_load_idx %arg11[%add3A_92, %broadcast_in_dim3A_166] : memref<16x16xf32, #tpu.memory_space<vmem>>[vector<16xi32>, vector<16xi32>], vector<16xf32>,
        tpu.vector_store_idx %arg11[%iota3A, %broadcast_in_dim3A_166], %gather3A_168 masked %not3A_112 : memref<16x16xf32, #tpu.memory_space<vmem>>[vector<16xi32>, vector<16xi32>], vector<16xf32>, vector<16xi1>
        %broadcast_in_dim3A_169 = arith.constant 14 : i32
        %broadcast_in_dim3A_170 = vector.broadcast %broadcast_in_dim3A_169 : i32 to vector<16xi32>
        %gather3A_171 = tpu.vector_load_idx %arg12[%iota3A, %broadcast_in_dim3A_170] : memref<16x16xf32, #tpu.memory_space<vmem>>[vector<16xi32>, vector<16xi32>], vector<16xf32>,
        tpu.vector_store_idx %arg11[%iota3A, %broadcast_in_dim3A_170], %gather3A_171 masked %and3A_78 {add = true} : memref<16x16xf32, #tpu.memory_space<vmem>>[vector<16xi32>, vector<16xi32>], vector<16xf32>, vector<16xi1>
        %gather3A_172 = tpu.vector_load_idx %arg11[%add3A_92, %broadcast_in_dim3A_170] : memref<16x16xf32, #tpu.memory_space<vmem>>[vector<16xi32>, vector<16xi32>], vector<16xf32>,
        tpu.vector_store_idx %arg11[%iota3A, %broadcast_in_dim3A_170], %gather3A_172 masked %not3A_112 : memref<16x16xf32, #tpu.memory_space<vmem>>[vector<16xi32>, vector<16xi32>], vector<16xf32>, vector<16xi1>
        %broadcast_in_dim3A_173 = arith.constant 15 : i32
        %broadcast_in_dim3A_174 = vector.broadcast %broadcast_in_dim3A_173 : i32 to vector<16xi32>
        %gather3A_175 = tpu.vector_load_idx %arg12[%iota3A, %broadcast_in_dim3A_174] : memref<16x16xf32, #tpu.memory_space<vmem>>[vector<16xi32>, vector<16xi32>], vector<16xf32>,
        tpu.vector_store_idx %arg11[%iota3A, %broadcast_in_dim3A_174], %gather3A_175 masked %and3A_78 {add = true} : memref<16x16xf32, #tpu.memory_space<vmem>>[vector<16xi32>, vector<16xi32>], vector<16xf32>, vector<16xi1>
        %gather3A_176 = tpu.vector_load_idx %arg11[%add3A_92, %broadcast_in_dim3A_174] : memref<16x16xf32, #tpu.memory_space<vmem>>[vector<16xi32>, vector<16xi32>], vector<16xf32>,
        tpu.vector_store_idx %arg11[%iota3A, %broadcast_in_dim3A_174], %gather3A_176 masked %not3A_112 : memref<16x16xf32, #tpu.memory_space<vmem>>[vector<16xi32>, vector<16xi32>], vector<16xf32>, vector<16xi1>
        %dma_start3A_177 = arith.constant 0 : i32
        %dma_start3A_178 = arith.constant 0 : i32
        %dma_start3A_179 = tpu.memref_slice %arg5[%dma_start3A_177, %dma_start3A_178] : memref<1000000x16xf32, #tpu.memory_space<hbm>> -> memref<1000000x16xf32, #tpu.memory_space<hbm>>
        tpu.enqueue_indirect_dma source(%arg11 : memref<16x16xf32, #tpu.memory_space<vmem>>) target(%dma_start3A_179 : memref<1000000x16xf32, #tpu.memory_space<hbm>>) offsets(%arg9 : memref<16xi32, #tpu.memory_space<vmem>>) semaphore(%arg13 : memref<!tpu.dma_semaphore, #tpu.memory_space<semaphore_mem>>)
        %dma_wait3A_180 = arith.constant 0 : i32
        %dma_wait3A_181 = arith.constant 0 : i32
        %dma_wait3A_182 = tpu.memref_slice %arg5[%dma_wait3A_180, %dma_wait3A_181] : memref<1000000x16xf32, #tpu.memory_space<hbm>> -> memref<1000000x16xf32, #tpu.memory_space<hbm>>
        tpu.wait_indirect_dma semaphore(%arg13 : memref<!tpu.dma_semaphore, #tpu.memory_space<semaphore_mem>>) src(%arg11 : memref<16x16xf32, #tpu.memory_space<vmem>>) dst(%dma_wait3A_182 : memref<1000000x16xf32, #tpu.memory_space<hbm>>)
        %while3A_183 = arith.constant 0 : i32
        scf.yield %while3A_183 : i32
      }
      %while3A_72 = arith.constant 1 : i32
      %while3A_73 = scf.for %while3A_75 = %while3A_69 to %while3A_65 step %while3A_72 iter_args(%while3A_76 = %while3A_71) -> (i32)  : i32 {
        %eq3A = vector.broadcast %while3A_75 : i32 to vector<16xi32>
        %eq3A_77 = arith.cmpi eq, %unique3A_49, %eq3A : vector<16xi32>
        %and3A_78 = arith.andi %lt3A_42, %eq3A_77 : vector<16xi1>
        %jit3A_79 = arith.constant 15 : i32
        %broadcast_in_dim3A_80 = vector.broadcast %jit3A_79 : i32 to vector<16xi32>
        %select_n3A_81 = arith.select %and3A_78, %iota3A, %broadcast_in_dim3A_80 : vector<16xi1>, vector<16xi32>
        %reduce_min3A = arith.constant true
        %reduce_min3A_82 = vector.broadcast %reduce_min3A : i1 to vector<16xi1>
        %reduce_min3A_83 = arith.constant -2147483648 : i32
        %reduce_min3A_84 = vector.broadcast %reduce_min3A_83 : i32 to vector<16xi32>
        %reduce_min3A_85 = arith.xori %select_n3A_81, %reduce_min3A_84 : vector<16xi32>
        %reduce_min3A_86 = tpu.scan <min>, %reduce_min3A_85 masked %reduce_min3A_82 : vector<16xi32>, vector<16xi1> -> vector<16xi32>
        %reduce_min3A_87 = arith.xori %reduce_min3A_86, %reduce_min3A_84 : vector<16xi32>
        %reduce_min3A_88 = vector.extract %reduce_min3A_87[15] : i32 from vector<16xi32>
        %broadcast_in_dim3A_89 = arith.constant 0 : i32
        %broadcast_in_dim3A_90 = vector.broadcast %broadcast_in_dim3A_89 : i32 to vector<16xi32>
        %add3A_91 = vector.broadcast %reduce_min3A_88 : i32 to vector<16xi32>
        %add3A_92 = arith.addi %broadcast_in_dim3A_90, %add3A_91 : vector<16xi32>
        %gather3A_93 = tpu.vector_load_idx %arg8[%add3A_92] : memref<16xi32, #tpu.memory_space<vmem>>[vector<16xi32>], vector<16xi32>,
        %select_n3A_94 = arith.select %and3A_78, %gather3A, %gather3A_93 : vector<16xi1>, vector<16xi32>
        %swap3A_95 = arith.constant 0 : index
        %swap3A_96 = tpu.vector_load %arg9[%swap3A_95] {strides = array<i32>} : memref<16xi32, #tpu.memory_space<vmem>>, vector<16xi32>,
        tpu.vector_store %arg9[%swap3A_95], %select_n3A_94 {strides = array<i32>} : memref<16xi32, #tpu.memory_space<vmem>>, vector<16xi32>,
        %jit3A_97 = arith.constant 0 : i32
        %broadcast_in_dim3A_98 = vector.broadcast %jit3A_97 : i32 to vector<16xi32>
        %select_n3A_99 = arith.select %and3A_78, %select_n3A_47, %broadcast_in_dim3A_98 : vector<16xi1>, vector<16xi32>
        %swap3A_100 = arith.constant 0 : index
        %swap3A_101 = tpu.vector_load %arg10[%swap3A_100] {strides = array<i32>} : memref<16xi32, #tpu.memory_space<vmem>>, vector<16xi32>,
        tpu.vector_store %arg10[%swap3A_100], %select_n3A_99 {strides = array<i32>} : memref<16xi32, #tpu.memory_space<vmem>>, vector<16xi32>,
        %dma_start3A = arith.constant 0 : i32
        %dma_start3A_102 = arith.constant 0 : i32
        %dma_start3A_103 = tpu.memref_slice %arg5[%dma_start3A, %dma_start3A_102] : memref<1000000x16xf32, #tpu.memory_space<hbm>> -> memref<1000000x16xf32, #tpu.memory_space<hbm>>
        tpu.enqueue_indirect_dma source(%dma_start3A_103 : memref<1000000x16xf32, #tpu.memory_space<hbm>>) target(%arg11 : memref<16x16xf32, #tpu.memory_space<vmem>>) offsets(%arg9 : memref<16xi32, #tpu.memory_space<vmem>>) semaphore(%arg13 : memref<!tpu.dma_semaphore, #tpu.memory_space<semaphore_mem>>)
        %dma_start3A_104 = arith.constant 0 : i32
        %dma_start3A_105 = arith.constant 0 : i32
        %dma_start3A_106 = tpu.memref_slice %arg4[%dma_start3A_104, %dma_start3A_105] : memref<16384x16xf32, #tpu.memory_space<hbm>> -> memref<16384x16xf32, #tpu.memory_space<hbm>>
        tpu.enqueue_indirect_dma source(%dma_start3A_106 : memref<16384x16xf32, #tpu.memory_space<hbm>>) target(%arg12 : memref<16x16xf32, #tpu.memory_space<vmem>>) offsets(%arg10 : memref<16xi32, #tpu.memory_space<vmem>>) semaphore(%arg14 : memref<!tpu.dma_semaphore, #tpu.memory_space<semaphore_mem>>)
        %dma_wait3A = arith.constant 0 : i32
        %dma_wait3A_107 = arith.constant 0 : i32
        %dma_wait3A_108 = tpu.memref_slice %arg5[%dma_wait3A, %dma_wait3A_107] : memref<1000000x16xf32, #tpu.memory_space<hbm>> -> memref<1000000x16xf32, #tpu.memory_space<hbm>>
        tpu.wait_indirect_dma semaphore(%arg13 : memref<!tpu.dma_semaphore, #tpu.memory_space<semaphore_mem>>) src(%dma_wait3A_108 : memref<1000000x16xf32, #tpu.memory_space<hbm>>) dst(%arg11 : memref<16x16xf32, #tpu.memory_space<vmem>>)
        %dma_wait3A_109 = arith.constant 0 : i32
        %dma_wait3A_110 = arith.constant 0 : i32
        %dma_wait3A_111 = tpu.memref_slice %arg4[%dma_wait3A_109, %dma_wait3A_110] : memref<16384x16xf32, #tpu.memory_space<hbm>> -> memref<16384x16xf32, #tpu.memory_space<hbm>>
        tpu.wait_indirect_dma semaphore(%arg14 : memref<!tpu.dma_semaphore, #tpu.memory_space<semaphore_mem>>) src(%dma_wait3A_111 : memref<16384x16xf32, #tpu.memory_space<hbm>>) dst(%arg12 : memref<16x16xf32, #tpu.memory_space<vmem>>)
        %not3A = arith.constant dense<true> : vector<16xi1>
        %not3A_112 = arith.xori %and3A_78, %not3A : vector<16xi1>
        %broadcast_in_dim3A_113 = arith.constant 0 : i32
        %broadcast_in_dim3A_114 = vector.broadcast %broadcast_in_dim3A_113 : i32 to vector<16xi32>
        %gather3A_115 = tpu.vector_load_idx %arg12[%iota3A, %broadcast_in_dim3A_114] : memref<16x16xf32, #tpu.memory_space<vmem>>[vector<16xi32>, vector<16xi32>], vector<16xf32>,
        tpu.vector_store_idx %arg11[%iota3A, %broadcast_in_dim3A_114], %gather3A_115 masked %and3A_78 {add = true} : memref<16x16xf32, #tpu.memory_space<vmem>>[vector<16xi32>, vector<16xi32>], vector<16xf32>, vector<16xi1>
        %gather3A_116 = tpu.vector_load_idx %arg11[%add3A_92, %broadcast_in_dim3A_114] : memref<16x16xf32, #tpu.memory_space<vmem>>[vector<16xi32>, vector<16xi32>], vector<16xf32>,
        tpu.vector_store_idx %arg11[%iota3A, %broadcast_in_dim3A_114], %gather3A_116 masked %not3A_112 : memref<16x16xf32, #tpu.memory_space<vmem>>[vector<16xi32>, vector<16xi32>], vector<16xf32>, vector<16xi1>
        %broadcast_in_dim3A_117 = arith.constant 1 : i32
        %broadcast_in_dim3A_118 = vector.broadcast %broadcast_in_dim3A_117 : i32 to vector<16xi32>
        %gather3A_119 = tpu.vector_load_idx %arg12[%iota3A, %broadcast_in_dim3A_118] : memref<16x16xf32, #tpu.memory_space<vmem>>[vector<16xi32>, vector<16xi32>], vector<16xf32>,
        tpu.vector_store_idx %arg11[%iota3A, %broadcast_in_dim3A_118], %gather3A_119 masked %and3A_78 {add = true} : memref<16x16xf32, #tpu.memory_space<vmem>>[vector<16xi32>, vector<16xi32>], vector<16xf32>, vector<16xi1>
        %gather3A_120 = tpu.vector_load_idx %arg11[%add3A_92, %broadcast_in_dim3A_118] : memref<16x16xf32, #tpu.memory_space<vmem>>[vector<16xi32>, vector<16xi32>], vector<16xf32>,
        tpu.vector_store_idx %arg11[%iota3A, %broadcast_in_dim3A_118], %gather3A_120 masked %not3A_112 : memref<16x16xf32, #tpu.memory_space<vmem>>[vector<16xi32>, vector<16xi32>], vector<16xf32>, vector<16xi1>
        %broadcast_in_dim3A_121 = arith.constant 2 : i32
        %broadcast_in_dim3A_122 = vector.broadcast %broadcast_in_dim3A_121 : i32 to vector<16xi32>
        %gather3A_123 = tpu.vector_load_idx %arg12[%iota3A, %broadcast_in_dim3A_122] : memref<16x16xf32, #tpu.memory_space<vmem>>[vector<16xi32>, vector<16xi32>], vector<16xf32>,
        tpu.vector_store_idx %arg11[%iota3A, %broadcast_in_dim3A_122], %gather3A_123 masked %and3A_78 {add = true} : memref<16x16xf32, #tpu.memory_space<vmem>>[vector<16xi32>, vector<16xi32>], vector<16xf32>, vector<16xi1>
        %gather3A_124 = tpu.vector_load_idx %arg11[%add3A_92, %broadcast_in_dim3A_122] : memref<16x16xf32, #tpu.memory_space<vmem>>[vector<16xi32>, vector<16xi32>], vector<16xf32>,
        tpu.vector_store_idx %arg11[%iota3A, %broadcast_in_dim3A_122], %gather3A_124 masked %not3A_112 : memref<16x16xf32, #tpu.memory_space<vmem>>[vector<16xi32>, vector<16xi32>], vector<16xf32>, vector<16xi1>
        %broadcast_in_dim3A_125 = arith.constant 3 : i32
        %broadcast_in_dim3A_126 = vector.broadcast %broadcast_in_dim3A_125 : i32 to vector<16xi32>
        %gather3A_127 = tpu.vector_load_idx %arg12[%iota3A, %broadcast_in_dim3A_126] : memref<16x16xf32, #tpu.memory_space<vmem>>[vector<16xi32>, vector<16xi32>], vector<16xf32>,
        tpu.vector_store_idx %arg11[%iota3A, %broadcast_in_dim3A_126], %gather3A_127 masked %and3A_78 {add = true} : memref<16x16xf32, #tpu.memory_space<vmem>>[vector<16xi32>, vector<16xi32>], vector<16xf32>, vector<16xi1>
        %gather3A_128 = tpu.vector_load_idx %arg11[%add3A_92, %broadcast_in_dim3A_126] : memref<16x16xf32, #tpu.memory_space<vmem>>[vector<16xi32>, vector<16xi32>], vector<16xf32>,
        tpu.vector_store_idx %arg11[%iota3A, %broadcast_in_dim3A_126], %gather3A_128 masked %not3A_112 : memref<16x16xf32, #tpu.memory_space<vmem>>[vector<16xi32>, vector<16xi32>], vector<16xf32>, vector<16xi1>
        %broadcast_in_dim3A_129 = arith.constant 4 : i32
        %broadcast_in_dim3A_130 = vector.broadcast %broadcast_in_dim3A_129 : i32 to vector<16xi32>
        %gather3A_131 = tpu.vector_load_idx %arg12[%iota3A, %broadcast_in_dim3A_130] : memref<16x16xf32, #tpu.memory_space<vmem>>[vector<16xi32>, vector<16xi32>], vector<16xf32>,
        tpu.vector_store_idx %arg11[%iota3A, %broadcast_in_dim3A_130], %gather3A_131 masked %and3A_78 {add = true} : memref<16x16xf32, #tpu.memory_space<vmem>>[vector<16xi32>, vector<16xi32>], vector<16xf32>, vector<16xi1>
        %gather3A_132 = tpu.vector_load_idx %arg11[%add3A_92, %broadcast_in_dim3A_130] : memref<16x16xf32, #tpu.memory_space<vmem>>[vector<16xi32>, vector<16xi32>], vector<16xf32>,
        tpu.vector_store_idx %arg11[%iota3A, %broadcast_in_dim3A_130], %gather3A_132 masked %not3A_112 : memref<16x16xf32, #tpu.memory_space<vmem>>[vector<16xi32>, vector<16xi32>], vector<16xf32>, vector<16xi1>
        %broadcast_in_dim3A_133 = arith.constant 5 : i32
        %broadcast_in_dim3A_134 = vector.broadcast %broadcast_in_dim3A_133 : i32 to vector<16xi32>
        %gather3A_135 = tpu.vector_load_idx %arg12[%iota3A, %broadcast_in_dim3A_134] : memref<16x16xf32, #tpu.memory_space<vmem>>[vector<16xi32>, vector<16xi32>], vector<16xf32>,
        tpu.vector_store_idx %arg11[%iota3A, %broadcast_in_dim3A_134], %gather3A_135 masked %and3A_78 {add = true} : memref<16x16xf32, #tpu.memory_space<vmem>>[vector<16xi32>, vector<16xi32>], vector<16xf32>, vector<16xi1>
        %gather3A_136 = tpu.vector_load_idx %arg11[%add3A_92, %broadcast_in_dim3A_134] : memref<16x16xf32, #tpu.memory_space<vmem>>[vector<16xi32>, vector<16xi32>], vector<16xf32>,
        tpu.vector_store_idx %arg11[%iota3A, %broadcast_in_dim3A_134], %gather3A_136 masked %not3A_112 : memref<16x16xf32, #tpu.memory_space<vmem>>[vector<16xi32>, vector<16xi32>], vector<16xf32>, vector<16xi1>
        %broadcast_in_dim3A_137 = arith.constant 6 : i32
        %broadcast_in_dim3A_138 = vector.broadcast %broadcast_in_dim3A_137 : i32 to vector<16xi32>
        %gather3A_139 = tpu.vector_load_idx %arg12[%iota3A, %broadcast_in_dim3A_138] : memref<16x16xf32, #tpu.memory_space<vmem>>[vector<16xi32>, vector<16xi32>], vector<16xf32>,
        tpu.vector_store_idx %arg11[%iota3A, %broadcast_in_dim3A_138], %gather3A_139 masked %and3A_78 {add = true} : memref<16x16xf32, #tpu.memory_space<vmem>>[vector<16xi32>, vector<16xi32>], vector<16xf32>, vector<16xi1>
        %gather3A_140 = tpu.vector_load_idx %arg11[%add3A_92, %broadcast_in_dim3A_138] : memref<16x16xf32, #tpu.memory_space<vmem>>[vector<16xi32>, vector<16xi32>], vector<16xf32>,
        tpu.vector_store_idx %arg11[%iota3A, %broadcast_in_dim3A_138], %gather3A_140 masked %not3A_112 : memref<16x16xf32, #tpu.memory_space<vmem>>[vector<16xi32>, vector<16xi32>], vector<16xf32>, vector<16xi1>
        %broadcast_in_dim3A_141 = arith.constant 7 : i32
        %broadcast_in_dim3A_142 = vector.broadcast %broadcast_in_dim3A_141 : i32 to vector<16xi32>
        %gather3A_143 = tpu.vector_load_idx %arg12[%iota3A, %broadcast_in_dim3A_142] : memref<16x16xf32, #tpu.memory_space<vmem>>[vector<16xi32>, vector<16xi32>], vector<16xf32>,
        tpu.vector_store_idx %arg11[%iota3A, %broadcast_in_dim3A_142], %gather3A_143 masked %and3A_78 {add = true} : memref<16x16xf32, #tpu.memory_space<vmem>>[vector<16xi32>, vector<16xi32>], vector<16xf32>, vector<16xi1>
        %gather3A_144 = tpu.vector_load_idx %arg11[%add3A_92, %broadcast_in_dim3A_142] : memref<16x16xf32, #tpu.memory_space<vmem>>[vector<16xi32>, vector<16xi32>], vector<16xf32>,
        tpu.vector_store_idx %arg11[%iota3A, %broadcast_in_dim3A_142], %gather3A_144 masked %not3A_112 : memref<16x16xf32, #tpu.memory_space<vmem>>[vector<16xi32>, vector<16xi32>], vector<16xf32>, vector<16xi1>
        %broadcast_in_dim3A_145 = arith.constant 8 : i32
        %broadcast_in_dim3A_146 = vector.broadcast %broadcast_in_dim3A_145 : i32 to vector<16xi32>
        %gather3A_147 = tpu.vector_load_idx %arg12[%iota3A, %broadcast_in_dim3A_146] : memref<16x16xf32, #tpu.memory_space<vmem>>[vector<16xi32>, vector<16xi32>], vector<16xf32>,
        tpu.vector_store_idx %arg11[%iota3A, %broadcast_in_dim3A_146], %gather3A_147 masked %and3A_78 {add = true} : memref<16x16xf32, #tpu.memory_space<vmem>>[vector<16xi32>, vector<16xi32>], vector<16xf32>, vector<16xi1>
        %gather3A_148 = tpu.vector_load_idx %arg11[%add3A_92, %broadcast_in_dim3A_146] : memref<16x16xf32, #tpu.memory_space<vmem>>[vector<16xi32>, vector<16xi32>], vector<16xf32>,
        tpu.vector_store_idx %arg11[%iota3A, %broadcast_in_dim3A_146], %gather3A_148 masked %not3A_112 : memref<16x16xf32, #tpu.memory_space<vmem>>[vector<16xi32>, vector<16xi32>], vector<16xf32>, vector<16xi1>
        %broadcast_in_dim3A_149 = arith.constant 9 : i32
        %broadcast_in_dim3A_150 = vector.broadcast %broadcast_in_dim3A_149 : i32 to vector<16xi32>
        %gather3A_151 = tpu.vector_load_idx %arg12[%iota3A, %broadcast_in_dim3A_150] : memref<16x16xf32, #tpu.memory_space<vmem>>[vector<16xi32>, vector<16xi32>], vector<16xf32>,
        tpu.vector_store_idx %arg11[%iota3A, %broadcast_in_dim3A_150], %gather3A_151 masked %and3A_78 {add = true} : memref<16x16xf32, #tpu.memory_space<vmem>>[vector<16xi32>, vector<16xi32>], vector<16xf32>, vector<16xi1>
        %gather3A_152 = tpu.vector_load_idx %arg11[%add3A_92, %broadcast_in_dim3A_150] : memref<16x16xf32, #tpu.memory_space<vmem>>[vector<16xi32>, vector<16xi32>], vector<16xf32>,
        tpu.vector_store_idx %arg11[%iota3A, %broadcast_in_dim3A_150], %gather3A_152 masked %not3A_112 : memref<16x16xf32, #tpu.memory_space<vmem>>[vector<16xi32>, vector<16xi32>], vector<16xf32>, vector<16xi1>
        %broadcast_in_dim3A_153 = arith.constant 10 : i32
        %broadcast_in_dim3A_154 = vector.broadcast %broadcast_in_dim3A_153 : i32 to vector<16xi32>
        %gather3A_155 = tpu.vector_load_idx %arg12[%iota3A, %broadcast_in_dim3A_154] : memref<16x16xf32, #tpu.memory_space<vmem>>[vector<16xi32>, vector<16xi32>], vector<16xf32>,
        tpu.vector_store_idx %arg11[%iota3A, %broadcast_in_dim3A_154], %gather3A_155 masked %and3A_78 {add = true} : memref<16x16xf32, #tpu.memory_space<vmem>>[vector<16xi32>, vector<16xi32>], vector<16xf32>, vector<16xi1>
        %gather3A_156 = tpu.vector_load_idx %arg11[%add3A_92, %broadcast_in_dim3A_154] : memref<16x16xf32, #tpu.memory_space<vmem>>[vector<16xi32>, vector<16xi32>], vector<16xf32>,
        tpu.vector_store_idx %arg11[%iota3A, %broadcast_in_dim3A_154], %gather3A_156 masked %not3A_112 : memref<16x16xf32, #tpu.memory_space<vmem>>[vector<16xi32>, vector<16xi32>], vector<16xf32>, vector<16xi1>
        %broadcast_in_dim3A_157 = arith.constant 11 : i32
        %broadcast_in_dim3A_158 = vector.broadcast %broadcast_in_dim3A_157 : i32 to vector<16xi32>
        %gather3A_159 = tpu.vector_load_idx %arg12[%iota3A, %broadcast_in_dim3A_158] : memref<16x16xf32, #tpu.memory_space<vmem>>[vector<16xi32>, vector<16xi32>], vector<16xf32>,
        tpu.vector_store_idx %arg11[%iota3A, %broadcast_in_dim3A_158], %gather3A_159 masked %and3A_78 {add = true} : memref<16x16xf32, #tpu.memory_space<vmem>>[vector<16xi32>, vector<16xi32>], vector<16xf32>, vector<16xi1>
        %gather3A_160 = tpu.vector_load_idx %arg11[%add3A_92, %broadcast_in_dim3A_158] : memref<16x16xf32, #tpu.memory_space<vmem>>[vector<16xi32>, vector<16xi32>], vector<16xf32>,
        tpu.vector_store_idx %arg11[%iota3A, %broadcast_in_dim3A_158], %gather3A_160 masked %not3A_112 : memref<16x16xf32, #tpu.memory_space<vmem>>[vector<16xi32>, vector<16xi32>], vector<16xf32>, vector<16xi1>
        %broadcast_in_dim3A_161 = arith.constant 12 : i32
        %broadcast_in_dim3A_162 = vector.broadcast %broadcast_in_dim3A_161 : i32 to vector<16xi32>
        %gather3A_163 = tpu.vector_load_idx %arg12[%iota3A, %broadcast_in_dim3A_162] : memref<16x16xf32, #tpu.memory_space<vmem>>[vector<16xi32>, vector<16xi32>], vector<16xf32>,
        tpu.vector_store_idx %arg11[%iota3A, %broadcast_in_dim3A_162], %gather3A_163 masked %and3A_78 {add = true} : memref<16x16xf32, #tpu.memory_space<vmem>>[vector<16xi32>, vector<16xi32>], vector<16xf32>, vector<16xi1>
        %gather3A_164 = tpu.vector_load_idx %arg11[%add3A_92, %broadcast_in_dim3A_162] : memref<16x16xf32, #tpu.memory_space<vmem>>[vector<16xi32>, vector<16xi32>], vector<16xf32>,
        tpu.vector_store_idx %arg11[%iota3A, %broadcast_in_dim3A_162], %gather3A_164 masked %not3A_112 : memref<16x16xf32, #tpu.memory_space<vmem>>[vector<16xi32>, vector<16xi32>], vector<16xf32>, vector<16xi1>
        %broadcast_in_dim3A_165 = arith.constant 13 : i32
        %broadcast_in_dim3A_166 = vector.broadcast %broadcast_in_dim3A_165 : i32 to vector<16xi32>
        %gather3A_167 = tpu.vector_load_idx %arg12[%iota3A, %broadcast_in_dim3A_166] : memref<16x16xf32, #tpu.memory_space<vmem>>[vector<16xi32>, vector<16xi32>], vector<16xf32>,
        tpu.vector_store_idx %arg11[%iota3A, %broadcast_in_dim3A_166], %gather3A_167 masked %and3A_78 {add = true} : memref<16x16xf32, #tpu.memory_space<vmem>>[vector<16xi32>, vector<16xi32>], vector<16xf32>, vector<16xi1>
        %gather3A_168 = tpu.vector_load_idx %arg11[%add3A_92, %broadcast_in_dim3A_166] : memref<16x16xf32, #tpu.memory_space<vmem>>[vector<16xi32>, vector<16xi32>], vector<16xf32>,
        tpu.vector_store_idx %arg11[%iota3A, %broadcast_in_dim3A_166], %gather3A_168 masked %not3A_112 : memref<16x16xf32, #tpu.memory_space<vmem>>[vector<16xi32>, vector<16xi32>], vector<16xf32>, vector<16xi1>
        %broadcast_in_dim3A_169 = arith.constant 14 : i32
        %broadcast_in_dim3A_170 = vector.broadcast %broadcast_in_dim3A_169 : i32 to vector<16xi32>
        %gather3A_171 = tpu.vector_load_idx %arg12[%iota3A, %broadcast_in_dim3A_170] : memref<16x16xf32, #tpu.memory_space<vmem>>[vector<16xi32>, vector<16xi32>], vector<16xf32>,
        tpu.vector_store_idx %arg11[%iota3A, %broadcast_in_dim3A_170], %gather3A_171 masked %and3A_78 {add = true} : memref<16x16xf32, #tpu.memory_space<vmem>>[vector<16xi32>, vector<16xi32>], vector<16xf32>, vector<16xi1>
        %gather3A_172 = tpu.vector_load_idx %arg11[%add3A_92, %broadcast_in_dim3A_170] : memref<16x16xf32, #tpu.memory_space<vmem>>[vector<16xi32>, vector<16xi32>], vector<16xf32>,
        tpu.vector_store_idx %arg11[%iota3A, %broadcast_in_dim3A_170], %gather3A_172 masked %not3A_112 : memref<16x16xf32, #tpu.memory_space<vmem>>[vector<16xi32>, vector<16xi32>], vector<16xf32>, vector<16xi1>
        %broadcast_in_dim3A_173 = arith.constant 15 : i32
        %broadcast_in_dim3A_174 = vector.broadcast %broadcast_in_dim3A_173 : i32 to vector<16xi32>
        %gather3A_175 = tpu.vector_load_idx %arg12[%iota3A, %broadcast_in_dim3A_174] : memref<16x16xf32, #tpu.memory_space<vmem>>[vector<16xi32>, vector<16xi32>], vector<16xf32>,
        tpu.vector_store_idx %arg11[%iota3A, %broadcast_in_dim3A_174], %gather3A_175 masked %and3A_78 {add = true} : memref<16x16xf32, #tpu.memory_space<vmem>>[vector<16xi32>, vector<16xi32>], vector<16xf32>, vector<16xi1>
        %gather3A_176 = tpu.vector_load_idx %arg11[%add3A_92, %broadcast_in_dim3A_174] : memref<16x16xf32, #tpu.memory_space<vmem>>[vector<16xi32>, vector<16xi32>], vector<16xf32>,
        tpu.vector_store_idx %arg11[%iota3A, %broadcast_in_dim3A_174], %gather3A_176 masked %not3A_112 : memref<16x16xf32, #tpu.memory_space<vmem>>[vector<16xi32>, vector<16xi32>], vector<16xf32>, vector<16xi1>
        %dma_start3A_177 = arith.constant 0 : i32
        %dma_start3A_178 = arith.constant 0 : i32
        %dma_start3A_179 = tpu.memref_slice %arg5[%dma_start3A_177, %dma_start3A_178] : memref<1000000x16xf32, #tpu.memory_space<hbm>> -> memref<1000000x16xf32, #tpu.memory_space<hbm>>
        tpu.enqueue_indirect_dma source(%arg11 : memref<16x16xf32, #tpu.memory_space<vmem>>) target(%dma_start3A_179 : memref<1000000x16xf32, #tpu.memory_space<hbm>>) offsets(%arg9 : memref<16xi32, #tpu.memory_space<vmem>>) semaphore(%arg13 : memref<!tpu.dma_semaphore, #tpu.memory_space<semaphore_mem>>)
        %dma_wait3A_180 = arith.constant 0 : i32
        %dma_wait3A_181 = arith.constant 0 : i32
        %dma_wait3A_182 = tpu.memref_slice %arg5[%dma_wait3A_180, %dma_wait3A_181] : memref<1000000x16xf32, #tpu.memory_space<hbm>> -> memref<1000000x16xf32, #tpu.memory_space<hbm>>
        tpu.wait_indirect_dma semaphore(%arg13 : memref<!tpu.dma_semaphore, #tpu.memory_space<semaphore_mem>>) src(%arg11 : memref<16x16xf32, #tpu.memory_space<vmem>>) dst(%dma_wait3A_182 : memref<1000000x16xf32, #tpu.memory_space<hbm>>)
        %while3A_183 = arith.constant 0 : i32
        scf.yield %while3A_183 : i32
      }
      %while3A_74 = arith.constant 0 : i32
      scf.yield %while3A_74 : i32
    }
    %while3A_34 = arith.constant 1 : i32
    %while3A_35 = scf.for %while3A_36 = %while3A_31 to %while3A_27 step %while3A_34 iter_args(%while3A_37 = %while3A_33) -> (i32)  : i32 {
      %mul3A_38 = arith.constant 16 : i32
      %mul3A_39 = arith.muli %while3A_36, %mul3A_38 : i32
      %add3A_40 = vector.broadcast %mul3A_39 : i32 to vector<16xi32>
      %add3A_41 = arith.addi %add3A_40, %iota3A : vector<16xi32>
      %lt3A = vector.broadcast %scan3A_5 : i32 to vector<16xi32>
      %lt3A_42 = arith.cmpi slt, %add3A_41, %lt3A : vector<16xi32>
      %mul3A_43 = arith.constant 16 : i32
      %mul3A_44 = arith.muli %while3A_36, %mul3A_43 : i32
      %get3A = arith.index_cast %mul3A_44 : i32 to index
      %get3A_45 = tpu.vector_load %arg7[%get3A] {strides = array<i32>} : memref<16384xi32, #tpu.memory_space<vmem>>, vector<16xi32>,
      %jit3A_46 = arith.constant 0 : i32
      %broadcast_in_dim3A = vector.broadcast %jit3A_46 : i32 to vector<16xi32>
      %select_n3A_47 = arith.select %lt3A_42, %get3A_45, %broadcast_in_dim3A : vector<16xi1>, vector<16xi32>
      %gather3A = tpu.vector_load_idx %arg6[%select_n3A_47] : memref<16384xi32, #tpu.memory_space<vmem>>[vector<16xi32>], vector<16xi32>,
      %swap3A = arith.constant 0 : index
      %swap3A_48 = tpu.vector_load %arg8[%swap3A] {strides = array<i32>} : memref<16xi32, #tpu.memory_space<vmem>>, vector<16xi32>,
      tpu.vector_store %arg8[%swap3A], %gather3A {strides = array<i32>} : memref<16xi32, #tpu.memory_space<vmem>>, vector<16xi32>,
      %unique3A, %unique3A_49 = tpu.scan_count mask(%lt3A_42 : vector<16xi1>) value(%gather3A : vector<16xi32>) : vector<16xi1>, vector<16xi32>
      %jit3A_50 = arith.constant 0 : i32
      %broadcast_in_dim3A_51 = vector.broadcast %jit3A_50 : i32 to vector<16xi32>
      %select_n3A_52 = arith.select %lt3A_42, %unique3A_49, %broadcast_in_dim3A_51 : vector<16xi1>, vector<16xi32>
      %reduce_max3A = arith.constant true
      %reduce_max3A_53 = vector.broadcast %reduce_max3A : i1 to vector<16xi1>
      %reduce_max3A_54 = arith.constant -2147483648 : i32
      %reduce_max3A_55 = vector.broadcast %reduce_max3A_54 : i32 to vector<16xi32>
      %reduce_max3A_56 = arith.xori %select_n3A_52, %reduce_max3A_55 : vector<16xi32>
      %reduce_max3A_57 = tpu.scan <max>, %reduce_max3A_56 masked %reduce_max3A_53 : vector<16xi32>, vector<16xi1> -> vector<16xi32>
      %reduce_max3A_58 = arith.xori %reduce_max3A_57, %reduce_max3A_55 : vector<16xi32>
      %reduce_max3A_59 = vector.extract %reduce_max3A_58[15] : i32 from vector<16xi32>
      %add3A_60 = arith.constant 1 : i32
      %add3A_61 = arith.addi %reduce_max3A_59, %add3A_60 : i32
      %while3A_62 = arith.constant 0 : i32
      %while3A_63 = arith.constant 0 : i32
      %while3A_64 = arith.subi %add3A_61, %while3A_62 : i32
      %while3A_65 = arith.addi %while3A_62, %while3A_64 : i32
      %while3A_66 = arith.constant 1 : i32
      %while3A_67 = arith.divsi %while3A_64, %while3A_66 : i32
      %while3A_68 = arith.muli %while3A_67, %while3A_66 : i32
      %while3A_69 = arith.addi %while3A_62, %while3A_68 : i32
      %while3A_70 = arith.constant 1 : i32
      %while3A_71 = scf.for %while3A_75 = %while3A_62 to %while3A_69 step %while3A_70 iter_args(%while3A_76 = %while3A_63) -> (i32)  : i32 {
        %eq3A = vector.broadcast %while3A_75 : i32 to vector<16xi32>
        %eq3A_77 = arith.cmpi eq, %unique3A_49, %eq3A : vector<16xi32>
        %and3A_78 = arith.andi %lt3A_42, %eq3A_77 : vector<16xi1>
        %jit3A_79 = arith.constant 15 : i32
        %broadcast_in_dim3A_80 = vector.broadcast %jit3A_79 : i32 to vector<16xi32>
        %select_n3A_81 = arith.select %and3A_78, %iota3A, %broadcast_in_dim3A_80 : vector<16xi1>, vector<16xi32>
        %reduce_min3A = arith.constant true
        %reduce_min3A_82 = vector.broadcast %reduce_min3A : i1 to vector<16xi1>
        %reduce_min3A_83 = arith.constant -2147483648 : i32
        %reduce_min3A_84 = vector.broadcast %reduce_min3A_83 : i32 to vector<16xi32>
        %reduce_min3A_85 = arith.xori %select_n3A_81, %reduce_min3A_84 : vector<16xi32>
        %reduce_min3A_86 = tpu.scan <min>, %reduce_min3A_85 masked %reduce_min3A_82 : vector<16xi32>, vector<16xi1> -> vector<16xi32>
        %reduce_min3A_87 = arith.xori %reduce_min3A_86, %reduce_min3A_84 : vector<16xi32>
        %reduce_min3A_88 = vector.extract %reduce_min3A_87[15] : i32 from vector<16xi32>
        %broadcast_in_dim3A_89 = arith.constant 0 : i32
        %broadcast_in_dim3A_90 = vector.broadcast %broadcast_in_dim3A_89 : i32 to vector<16xi32>
        %add3A_91 = vector.broadcast %reduce_min3A_88 : i32 to vector<16xi32>
        %add3A_92 = arith.addi %broadcast_in_dim3A_90, %add3A_91 : vector<16xi32>
        %gather3A_93 = tpu.vector_load_idx %arg8[%add3A_92] : memref<16xi32, #tpu.memory_space<vmem>>[vector<16xi32>], vector<16xi32>,
        %select_n3A_94 = arith.select %and3A_78, %gather3A, %gather3A_93 : vector<16xi1>, vector<16xi32>
        %swap3A_95 = arith.constant 0 : index
        %swap3A_96 = tpu.vector_load %arg9[%swap3A_95] {strides = array<i32>} : memref<16xi32, #tpu.memory_space<vmem>>, vector<16xi32>,
        tpu.vector_store %arg9[%swap3A_95], %select_n3A_94 {strides = array<i32>} : memref<16xi32, #tpu.memory_space<vmem>>, vector<16xi32>,
        %jit3A_97 = arith.constant 0 : i32
        %broadcast_in_dim3A_98 = vector.broadcast %jit3A_97 : i32 to vector<16xi32>
        %select_n3A_99 = arith.select %and3A_78, %select_n3A_47, %broadcast_in_dim3A_98 : vector<16xi1>, vector<16xi32>
        %swap3A_100 = arith.constant 0 : index
        %swap3A_101 = tpu.vector_load %arg10[%swap3A_100] {strides = array<i32>} : memref<16xi32, #tpu.memory_space<vmem>>, vector<16xi32>,
        tpu.vector_store %arg10[%swap3A_100], %select_n3A_99 {strides = array<i32>} : memref<16xi32, #tpu.memory_space<vmem>>, vector<16xi32>,
        %dma_start3A = arith.constant 0 : i32
        %dma_start3A_102 = arith.constant 0 : i32
        %dma_start3A_103 = tpu.memref_slice %arg5[%dma_start3A, %dma_start3A_102] : memref<1000000x16xf32, #tpu.memory_space<hbm>> -> memref<1000000x16xf32, #tpu.memory_space<hbm>>
        tpu.enqueue_indirect_dma source(%dma_start3A_103 : memref<1000000x16xf32, #tpu.memory_space<hbm>>) target(%arg11 : memref<16x16xf32, #tpu.memory_space<vmem>>) offsets(%arg9 : memref<16xi32, #tpu.memory_space<vmem>>) semaphore(%arg13 : memref<!tpu.dma_semaphore, #tpu.memory_space<semaphore_mem>>)
        %dma_start3A_104 = arith.constant 0 : i32
        %dma_start3A_105 = arith.constant 0 : i32
        %dma_start3A_106 = tpu.memref_slice %arg4[%dma_start3A_104, %dma_start3A_105] : memref<16384x16xf32, #tpu.memory_space<hbm>> -> memref<16384x16xf32, #tpu.memory_space<hbm>>
        tpu.enqueue_indirect_dma source(%dma_start3A_106 : memref<16384x16xf32, #tpu.memory_space<hbm>>) target(%arg12 : memref<16x16xf32, #tpu.memory_space<vmem>>) offsets(%arg10 : memref<16xi32, #tpu.memory_space<vmem>>) semaphore(%arg14 : memref<!tpu.dma_semaphore, #tpu.memory_space<semaphore_mem>>)
        %dma_wait3A = arith.constant 0 : i32
        %dma_wait3A_107 = arith.constant 0 : i32
        %dma_wait3A_108 = tpu.memref_slice %arg5[%dma_wait3A, %dma_wait3A_107] : memref<1000000x16xf32, #tpu.memory_space<hbm>> -> memref<1000000x16xf32, #tpu.memory_space<hbm>>
        tpu.wait_indirect_dma semaphore(%arg13 : memref<!tpu.dma_semaphore, #tpu.memory_space<semaphore_mem>>) src(%dma_wait3A_108 : memref<1000000x16xf32, #tpu.memory_space<hbm>>) dst(%arg11 : memref<16x16xf32, #tpu.memory_space<vmem>>)
        %dma_wait3A_109 = arith.constant 0 : i32
        %dma_wait3A_110 = arith.constant 0 : i32
        %dma_wait3A_111 = tpu.memref_slice %arg4[%dma_wait3A_109, %dma_wait3A_110] : memref<16384x16xf32, #tpu.memory_space<hbm>> -> memref<16384x16xf32, #tpu.memory_space<hbm>>
        tpu.wait_indirect_dma semaphore(%arg14 : memref<!tpu.dma_semaphore, #tpu.memory_space<semaphore_mem>>) src(%dma_wait3A_111 : memref<16384x16xf32, #tpu.memory_space<hbm>>) dst(%arg12 : memref<16x16xf32, #tpu.memory_space<vmem>>)
        %not3A = arith.constant dense<true> : vector<16xi1>
        %not3A_112 = arith.xori %and3A_78, %not3A : vector<16xi1>
        %broadcast_in_dim3A_113 = arith.constant 0 : i32
        %broadcast_in_dim3A_114 = vector.broadcast %broadcast_in_dim3A_113 : i32 to vector<16xi32>
        %gather3A_115 = tpu.vector_load_idx %arg12[%iota3A, %broadcast_in_dim3A_114] : memref<16x16xf32, #tpu.memory_space<vmem>>[vector<16xi32>, vector<16xi32>], vector<16xf32>,
        tpu.vector_store_idx %arg11[%iota3A, %broadcast_in_dim3A_114], %gather3A_115 masked %and3A_78 {add = true} : memref<16x16xf32, #tpu.memory_space<vmem>>[vector<16xi32>, vector<16xi32>], vector<16xf32>, vector<16xi1>
        %gather3A_116 = tpu.vector_load_idx %arg11[%add3A_92, %broadcast_in_dim3A_114] : memref<16x16xf32, #tpu.memory_space<vmem>>[vector<16xi32>, vector<16xi32>], vector<16xf32>,
        tpu.vector_store_idx %arg11[%iota3A, %broadcast_in_dim3A_114], %gather3A_116 masked %not3A_112 : memref<16x16xf32, #tpu.memory_space<vmem>>[vector<16xi32>, vector<16xi32>], vector<16xf32>, vector<16xi1>
        %broadcast_in_dim3A_117 = arith.constant 1 : i32
        %broadcast_in_dim3A_118 = vector.broadcast %broadcast_in_dim3A_117 : i32 to vector<16xi32>
        %gather3A_119 = tpu.vector_load_idx %arg12[%iota3A, %broadcast_in_dim3A_118] : memref<16x16xf32, #tpu.memory_space<vmem>>[vector<16xi32>, vector<16xi32>], vector<16xf32>,
        tpu.vector_store_idx %arg11[%iota3A, %broadcast_in_dim3A_118], %gather3A_119 masked %and3A_78 {add = true} : memref<16x16xf32, #tpu.memory_space<vmem>>[vector<16xi32>, vector<16xi32>], vector<16xf32>, vector<16xi1>
        %gather3A_120 = tpu.vector_load_idx %arg11[%add3A_92, %broadcast_in_dim3A_118] : memref<16x16xf32, #tpu.memory_space<vmem>>[vector<16xi32>, vector<16xi32>], vector<16xf32>,
        tpu.vector_store_idx %arg11[%iota3A, %broadcast_in_dim3A_118], %gather3A_120 masked %not3A_112 : memref<16x16xf32, #tpu.memory_space<vmem>>[vector<16xi32>, vector<16xi32>], vector<16xf32>, vector<16xi1>
        %broadcast_in_dim3A_121 = arith.constant 2 : i32
        %broadcast_in_dim3A_122 = vector.broadcast %broadcast_in_dim3A_121 : i32 to vector<16xi32>
        %gather3A_123 = tpu.vector_load_idx %arg12[%iota3A, %broadcast_in_dim3A_122] : memref<16x16xf32, #tpu.memory_space<vmem>>[vector<16xi32>, vector<16xi32>], vector<16xf32>,
        tpu.vector_store_idx %arg11[%iota3A, %broadcast_in_dim3A_122], %gather3A_123 masked %and3A_78 {add = true} : memref<16x16xf32, #tpu.memory_space<vmem>>[vector<16xi32>, vector<16xi32>], vector<16xf32>, vector<16xi1>
        %gather3A_124 = tpu.vector_load_idx %arg11[%add3A_92, %broadcast_in_dim3A_122] : memref<16x16xf32, #tpu.memory_space<vmem>>[vector<16xi32>, vector<16xi32>], vector<16xf32>,
        tpu.vector_store_idx %arg11[%iota3A, %broadcast_in_dim3A_122], %gather3A_124 masked %not3A_112 : memref<16x16xf32, #tpu.memory_space<vmem>>[vector<16xi32>, vector<16xi32>], vector<16xf32>, vector<16xi1>
        %broadcast_in_dim3A_125 = arith.constant 3 : i32
        %broadcast_in_dim3A_126 = vector.broadcast %broadcast_in_dim3A_125 : i32 to vector<16xi32>
        %gather3A_127 = tpu.vector_load_idx %arg12[%iota3A, %broadcast_in_dim3A_126] : memref<16x16xf32, #tpu.memory_space<vmem>>[vector<16xi32>, vector<16xi32>], vector<16xf32>,
        tpu.vector_store_idx %arg11[%iota3A, %broadcast_in_dim3A_126], %gather3A_127 masked %and3A_78 {add = true} : memref<16x16xf32, #tpu.memory_space<vmem>>[vector<16xi32>, vector<16xi32>], vector<16xf32>, vector<16xi1>
        %gather3A_128 = tpu.vector_load_idx %arg11[%add3A_92, %broadcast_in_dim3A_126] : memref<16x16xf32, #tpu.memory_space<vmem>>[vector<16xi32>, vector<16xi32>], vector<16xf32>,
        tpu.vector_store_idx %arg11[%iota3A, %broadcast_in_dim3A_126], %gather3A_128 masked %not3A_112 : memref<16x16xf32, #tpu.memory_space<vmem>>[vector<16xi32>, vector<16xi32>], vector<16xf32>, vector<16xi1>
        %broadcast_in_dim3A_129 = arith.constant 4 : i32
        %broadcast_in_dim3A_130 = vector.broadcast %broadcast_in_dim3A_129 : i32 to vector<16xi32>
        %gather3A_131 = tpu.vector_load_idx %arg12[%iota3A, %broadcast_in_dim3A_130] : memref<16x16xf32, #tpu.memory_space<vmem>>[vector<16xi32>, vector<16xi32>], vector<16xf32>,
        tpu.vector_store_idx %arg11[%iota3A, %broadcast_in_dim3A_130], %gather3A_131 masked %and3A_78 {add = true} : memref<16x16xf32, #tpu.memory_space<vmem>>[vector<16xi32>, vector<16xi32>], vector<16xf32>, vector<16xi1>
        %gather3A_132 = tpu.vector_load_idx %arg11[%add3A_92, %broadcast_in_dim3A_130] : memref<16x16xf32, #tpu.memory_space<vmem>>[vector<16xi32>, vector<16xi32>], vector<16xf32>,
        tpu.vector_store_idx %arg11[%iota3A, %broadcast_in_dim3A_130], %gather3A_132 masked %not3A_112 : memref<16x16xf32, #tpu.memory_space<vmem>>[vector<16xi32>, vector<16xi32>], vector<16xf32>, vector<16xi1>
        %broadcast_in_dim3A_133 = arith.constant 5 : i32
        %broadcast_in_dim3A_134 = vector.broadcast %broadcast_in_dim3A_133 : i32 to vector<16xi32>
        %gather3A_135 = tpu.vector_load_idx %arg12[%iota3A, %broadcast_in_dim3A_134] : memref<16x16xf32, #tpu.memory_space<vmem>>[vector<16xi32>, vector<16xi32>], vector<16xf32>,
        tpu.vector_store_idx %arg11[%iota3A, %broadcast_in_dim3A_134], %gather3A_135 masked %and3A_78 {add = true} : memref<16x16xf32, #tpu.memory_space<vmem>>[vector<16xi32>, vector<16xi32>], vector<16xf32>, vector<16xi1>
        %gather3A_136 = tpu.vector_load_idx %arg11[%add3A_92, %broadcast_in_dim3A_134] : memref<16x16xf32, #tpu.memory_space<vmem>>[vector<16xi32>, vector<16xi32>], vector<16xf32>,
        tpu.vector_store_idx %arg11[%iota3A, %broadcast_in_dim3A_134], %gather3A_136 masked %not3A_112 : memref<16x16xf32, #tpu.memory_space<vmem>>[vector<16xi32>, vector<16xi32>], vector<16xf32>, vector<16xi1>
        %broadcast_in_dim3A_137 = arith.constant 6 : i32
        %broadcast_in_dim3A_138 = vector.broadcast %broadcast_in_dim3A_137 : i32 to vector<16xi32>
        %gather3A_139 = tpu.vector_load_idx %arg12[%iota3A, %broadcast_in_dim3A_138] : memref<16x16xf32, #tpu.memory_space<vmem>>[vector<16xi32>, vector<16xi32>], vector<16xf32>,
        tpu.vector_store_idx %arg11[%iota3A, %broadcast_in_dim3A_138], %gather3A_139 masked %and3A_78 {add = true} : memref<16x16xf32, #tpu.memory_space<vmem>>[vector<16xi32>, vector<16xi32>], vector<16xf32>, vector<16xi1>
        %gather3A_140 = tpu.vector_load_idx %arg11[%add3A_92, %broadcast_in_dim3A_138] : memref<16x16xf32, #tpu.memory_space<vmem>>[vector<16xi32>, vector<16xi32>], vector<16xf32>,
        tpu.vector_store_idx %arg11[%iota3A, %broadcast_in_dim3A_138], %gather3A_140 masked %not3A_112 : memref<16x16xf32, #tpu.memory_space<vmem>>[vector<16xi32>, vector<16xi32>], vector<16xf32>, vector<16xi1>
        %broadcast_in_dim3A_141 = arith.constant 7 : i32
        %broadcast_in_dim3A_142 = vector.broadcast %broadcast_in_dim3A_141 : i32 to vector<16xi32>
        %gather3A_143 = tpu.vector_load_idx %arg12[%iota3A, %broadcast_in_dim3A_142] : memref<16x16xf32, #tpu.memory_space<vmem>>[vector<16xi32>, vector<16xi32>], vector<16xf32>,
        tpu.vector_store_idx %arg11[%iota3A, %broadcast_in_dim3A_142], %gather3A_143 masked %and3A_78 {add = true} : memref<16x16xf32, #tpu.memory_space<vmem>>[vector<16xi32>, vector<16xi32>], vector<16xf32>, vector<16xi1>
        %gather3A_144 = tpu.vector_load_idx %arg11[%add3A_92, %broadcast_in_dim3A_142] : memref<16x16xf32, #tpu.memory_space<vmem>>[vector<16xi32>, vector<16xi32>], vector<16xf32>,
        tpu.vector_store_idx %arg11[%iota3A, %broadcast_in_dim3A_142], %gather3A_144 masked %not3A_112 : memref<16x16xf32, #tpu.memory_space<vmem>>[vector<16xi32>, vector<16xi32>], vector<16xf32>, vector<16xi1>
        %broadcast_in_dim3A_145 = arith.constant 8 : i32
        %broadcast_in_dim3A_146 = vector.broadcast %broadcast_in_dim3A_145 : i32 to vector<16xi32>
        %gather3A_147 = tpu.vector_load_idx %arg12[%iota3A, %broadcast_in_dim3A_146] : memref<16x16xf32, #tpu.memory_space<vmem>>[vector<16xi32>, vector<16xi32>], vector<16xf32>,
        tpu.vector_store_idx %arg11[%iota3A, %broadcast_in_dim3A_146], %gather3A_147 masked %and3A_78 {add = true} : memref<16x16xf32, #tpu.memory_space<vmem>>[vector<16xi32>, vector<16xi32>], vector<16xf32>, vector<16xi1>
        %gather3A_148 = tpu.vector_load_idx %arg11[%add3A_92, %broadcast_in_dim3A_146] : memref<16x16xf32, #tpu.memory_space<vmem>>[vector<16xi32>, vector<16xi32>], vector<16xf32>,
        tpu.vector_store_idx %arg11[%iota3A, %broadcast_in_dim3A_146], %gather3A_148 masked %not3A_112 : memref<16x16xf32, #tpu.memory_space<vmem>>[vector<16xi32>, vector<16xi32>], vector<16xf32>, vector<16xi1>
        %broadcast_in_dim3A_149 = arith.constant 9 : i32
        %broadcast_in_dim3A_150 = vector.broadcast %broadcast_in_dim3A_149 : i32 to vector<16xi32>
        %gather3A_151 = tpu.vector_load_idx %arg12[%iota3A, %broadcast_in_dim3A_150] : memref<16x16xf32, #tpu.memory_space<vmem>>[vector<16xi32>, vector<16xi32>], vector<16xf32>,
        tpu.vector_store_idx %arg11[%iota3A, %broadcast_in_dim3A_150], %gather3A_151 masked %and3A_78 {add = true} : memref<16x16xf32, #tpu.memory_space<vmem>>[vector<16xi32>, vector<16xi32>], vector<16xf32>, vector<16xi1>
        %gather3A_152 = tpu.vector_load_idx %arg11[%add3A_92, %broadcast_in_dim3A_150] : memref<16x16xf32, #tpu.memory_space<vmem>>[vector<16xi32>, vector<16xi32>], vector<16xf32>,
        tpu.vector_store_idx %arg11[%iota3A, %broadcast_in_dim3A_150], %gather3A_152 masked %not3A_112 : memref<16x16xf32, #tpu.memory_space<vmem>>[vector<16xi32>, vector<16xi32>], vector<16xf32>, vector<16xi1>
        %broadcast_in_dim3A_153 = arith.constant 10 : i32
        %broadcast_in_dim3A_154 = vector.broadcast %broadcast_in_dim3A_153 : i32 to vector<16xi32>
        %gather3A_155 = tpu.vector_load_idx %arg12[%iota3A, %broadcast_in_dim3A_154] : memref<16x16xf32, #tpu.memory_space<vmem>>[vector<16xi32>, vector<16xi32>], vector<16xf32>,
        tpu.vector_store_idx %arg11[%iota3A, %broadcast_in_dim3A_154], %gather3A_155 masked %and3A_78 {add = true} : memref<16x16xf32, #tpu.memory_space<vmem>>[vector<16xi32>, vector<16xi32>], vector<16xf32>, vector<16xi1>
        %gather3A_156 = tpu.vector_load_idx %arg11[%add3A_92, %broadcast_in_dim3A_154] : memref<16x16xf32, #tpu.memory_space<vmem>>[vector<16xi32>, vector<16xi32>], vector<16xf32>,
        tpu.vector_store_idx %arg11[%iota3A, %broadcast_in_dim3A_154], %gather3A_156 masked %not3A_112 : memref<16x16xf32, #tpu.memory_space<vmem>>[vector<16xi32>, vector<16xi32>], vector<16xf32>, vector<16xi1>
        %broadcast_in_dim3A_157 = arith.constant 11 : i32
        %broadcast_in_dim3A_158 = vector.broadcast %broadcast_in_dim3A_157 : i32 to vector<16xi32>
        %gather3A_159 = tpu.vector_load_idx %arg12[%iota3A, %broadcast_in_dim3A_158] : memref<16x16xf32, #tpu.memory_space<vmem>>[vector<16xi32>, vector<16xi32>], vector<16xf32>,
        tpu.vector_store_idx %arg11[%iota3A, %broadcast_in_dim3A_158], %gather3A_159 masked %and3A_78 {add = true} : memref<16x16xf32, #tpu.memory_space<vmem>>[vector<16xi32>, vector<16xi32>], vector<16xf32>, vector<16xi1>
        %gather3A_160 = tpu.vector_load_idx %arg11[%add3A_92, %broadcast_in_dim3A_158] : memref<16x16xf32, #tpu.memory_space<vmem>>[vector<16xi32>, vector<16xi32>], vector<16xf32>,
        tpu.vector_store_idx %arg11[%iota3A, %broadcast_in_dim3A_158], %gather3A_160 masked %not3A_112 : memref<16x16xf32, #tpu.memory_space<vmem>>[vector<16xi32>, vector<16xi32>], vector<16xf32>, vector<16xi1>
        %broadcast_in_dim3A_161 = arith.constant 12 : i32
        %broadcast_in_dim3A_162 = vector.broadcast %broadcast_in_dim3A_161 : i32 to vector<16xi32>
        %gather3A_163 = tpu.vector_load_idx %arg12[%iota3A, %broadcast_in_dim3A_162] : memref<16x16xf32, #tpu.memory_space<vmem>>[vector<16xi32>, vector<16xi32>], vector<16xf32>,
        tpu.vector_store_idx %arg11[%iota3A, %broadcast_in_dim3A_162], %gather3A_163 masked %and3A_78 {add = true} : memref<16x16xf32, #tpu.memory_space<vmem>>[vector<16xi32>, vector<16xi32>], vector<16xf32>, vector<16xi1>
        %gather3A_164 = tpu.vector_load_idx %arg11[%add3A_92, %broadcast_in_dim3A_162] : memref<16x16xf32, #tpu.memory_space<vmem>>[vector<16xi32>, vector<16xi32>], vector<16xf32>,
        tpu.vector_store_idx %arg11[%iota3A, %broadcast_in_dim3A_162], %gather3A_164 masked %not3A_112 : memref<16x16xf32, #tpu.memory_space<vmem>>[vector<16xi32>, vector<16xi32>], vector<16xf32>, vector<16xi1>
        %broadcast_in_dim3A_165 = arith.constant 13 : i32
        %broadcast_in_dim3A_166 = vector.broadcast %broadcast_in_dim3A_165 : i32 to vector<16xi32>
        %gather3A_167 = tpu.vector_load_idx %arg12[%iota3A, %broadcast_in_dim3A_166] : memref<16x16xf32, #tpu.memory_space<vmem>>[vector<16xi32>, vector<16xi32>], vector<16xf32>,
        tpu.vector_store_idx %arg11[%iota3A, %broadcast_in_dim3A_166], %gather3A_167 masked %and3A_78 {add = true} : memref<16x16xf32, #tpu.memory_space<vmem>>[vector<16xi32>, vector<16xi32>], vector<16xf32>, vector<16xi1>
        %gather3A_168 = tpu.vector_load_idx %arg11[%add3A_92, %broadcast_in_dim3A_166] : memref<16x16xf32, #tpu.memory_space<vmem>>[vector<16xi32>, vector<16xi32>], vector<16xf32>,
        tpu.vector_store_idx %arg11[%iota3A, %broadcast_in_dim3A_166], %gather3A_168 masked %not3A_112 : memref<16x16xf32, #tpu.memory_space<vmem>>[vector<16xi32>, vector<16xi32>], vector<16xf32>, vector<16xi1>
        %broadcast_in_dim3A_169 = arith.constant 14 : i32
        %broadcast_in_dim3A_170 = vector.broadcast %broadcast_in_dim3A_169 : i32 to vector<16xi32>
        %gather3A_171 = tpu.vector_load_idx %arg12[%iota3A, %broadcast_in_dim3A_170] : memref<16x16xf32, #tpu.memory_space<vmem>>[vector<16xi32>, vector<16xi32>], vector<16xf32>,
        tpu.vector_store_idx %arg11[%iota3A, %broadcast_in_dim3A_170], %gather3A_171 masked %and3A_78 {add = true} : memref<16x16xf32, #tpu.memory_space<vmem>>[vector<16xi32>, vector<16xi32>], vector<16xf32>, vector<16xi1>
        %gather3A_172 = tpu.vector_load_idx %arg11[%add3A_92, %broadcast_in_dim3A_170] : memref<16x16xf32, #tpu.memory_space<vmem>>[vector<16xi32>, vector<16xi32>], vector<16xf32>,
        tpu.vector_store_idx %arg11[%iota3A, %broadcast_in_dim3A_170], %gather3A_172 masked %not3A_112 : memref<16x16xf32, #tpu.memory_space<vmem>>[vector<16xi32>, vector<16xi32>], vector<16xf32>, vector<16xi1>
        %broadcast_in_dim3A_173 = arith.constant 15 : i32
        %broadcast_in_dim3A_174 = vector.broadcast %broadcast_in_dim3A_173 : i32 to vector<16xi32>
        %gather3A_175 = tpu.vector_load_idx %arg12[%iota3A, %broadcast_in_dim3A_174] : memref<16x16xf32, #tpu.memory_space<vmem>>[vector<16xi32>, vector<16xi32>], vector<16xf32>,
        tpu.vector_store_idx %arg11[%iota3A, %broadcast_in_dim3A_174], %gather3A_175 masked %and3A_78 {add = true} : memref<16x16xf32, #tpu.memory_space<vmem>>[vector<16xi32>, vector<16xi32>], vector<16xf32>, vector<16xi1>
        %gather3A_176 = tpu.vector_load_idx %arg11[%add3A_92, %broadcast_in_dim3A_174] : memref<16x16xf32, #tpu.memory_space<vmem>>[vector<16xi32>, vector<16xi32>], vector<16xf32>,
        tpu.vector_store_idx %arg11[%iota3A, %broadcast_in_dim3A_174], %gather3A_176 masked %not3A_112 : memref<16x16xf32, #tpu.memory_space<vmem>>[vector<16xi32>, vector<16xi32>], vector<16xf32>, vector<16xi1>
        %dma_start3A_177 = arith.constant 0 : i32
        %dma_start3A_178 = arith.constant 0 : i32
        %dma_start3A_179 = tpu.memref_slice %arg5[%dma_start3A_177, %dma_start3A_178] : memref<1000000x16xf32, #tpu.memory_space<hbm>> -> memref<1000000x16xf32, #tpu.memory_space<hbm>>
        tpu.enqueue_indirect_dma source(%arg11 : memref<16x16xf32, #tpu.memory_space<vmem>>) target(%dma_start3A_179 : memref<1000000x16xf32, #tpu.memory_space<hbm>>) offsets(%arg9 : memref<16xi32, #tpu.memory_space<vmem>>) semaphore(%arg13 : memref<!tpu.dma_semaphore, #tpu.memory_space<semaphore_mem>>)
        %dma_wait3A_180 = arith.constant 0 : i32
        %dma_wait3A_181 = arith.constant 0 : i32
        %dma_wait3A_182 = tpu.memref_slice %arg5[%dma_wait3A_180, %dma_wait3A_181] : memref<1000000x16xf32, #tpu.memory_space<hbm>> -> memref<1000000x16xf32, #tpu.memory_space<hbm>>
        tpu.wait_indirect_dma semaphore(%arg13 : memref<!tpu.dma_semaphore, #tpu.memory_space<semaphore_mem>>) src(%arg11 : memref<16x16xf32, #tpu.memory_space<vmem>>) dst(%dma_wait3A_182 : memref<1000000x16xf32, #tpu.memory_space<hbm>>)
        %while3A_183 = arith.constant 0 : i32
        scf.yield %while3A_183 : i32
      }
      %while3A_72 = arith.constant 1 : i32
      %while3A_73 = scf.for %while3A_75 = %while3A_69 to %while3A_65 step %while3A_72 iter_args(%while3A_76 = %while3A_71) -> (i32)  : i32 {
        %eq3A = vector.broadcast %while3A_75 : i32 to vector<16xi32>
        %eq3A_77 = arith.cmpi eq, %unique3A_49, %eq3A : vector<16xi32>
        %and3A_78 = arith.andi %lt3A_42, %eq3A_77 : vector<16xi1>
        %jit3A_79 = arith.constant 15 : i32
        %broadcast_in_dim3A_80 = vector.broadcast %jit3A_79 : i32 to vector<16xi32>
        %select_n3A_81 = arith.select %and3A_78, %iota3A, %broadcast_in_dim3A_80 : vector<16xi1>, vector<16xi32>
        %reduce_min3A = arith.constant true
        %reduce_min3A_82 = vector.broadcast %reduce_min3A : i1 to vector<16xi1>
        %reduce_min3A_83 = arith.constant -2147483648 : i32
        %reduce_min3A_84 = vector.broadcast %reduce_min3A_83 : i32 to vector<16xi32>
        %reduce_min3A_85 = arith.xori %select_n3A_81, %reduce_min3A_84 : vector<16xi32>
        %reduce_min3A_86 = tpu.scan <min>, %reduce_min3A_85 masked %reduce_min3A_82 : vector<16xi32>, vector<16xi1> -> vector<16xi32>
        %reduce_min3A_87 = arith.xori %reduce_min3A_86, %reduce_min3A_84 : vector<16xi32>
        %reduce_min3A_88 = vector.extract %reduce_min3A_87[15] : i32 from vector<16xi32>
        %broadcast_in_dim3A_89 = arith.constant 0 : i32
        %broadcast_in_dim3A_90 = vector.broadcast %broadcast_in_dim3A_89 : i32 to vector<16xi32>
        %add3A_91 = vector.broadcast %reduce_min3A_88 : i32 to vector<16xi32>
        %add3A_92 = arith.addi %broadcast_in_dim3A_90, %add3A_91 : vector<16xi32>
        %gather3A_93 = tpu.vector_load_idx %arg8[%add3A_92] : memref<16xi32, #tpu.memory_space<vmem>>[vector<16xi32>], vector<16xi32>,
        %select_n3A_94 = arith.select %and3A_78, %gather3A, %gather3A_93 : vector<16xi1>, vector<16xi32>
        %swap3A_95 = arith.constant 0 : index
        %swap3A_96 = tpu.vector_load %arg9[%swap3A_95] {strides = array<i32>} : memref<16xi32, #tpu.memory_space<vmem>>, vector<16xi32>,
        tpu.vector_store %arg9[%swap3A_95], %select_n3A_94 {strides = array<i32>} : memref<16xi32, #tpu.memory_space<vmem>>, vector<16xi32>,
        %jit3A_97 = arith.constant 0 : i32
        %broadcast_in_dim3A_98 = vector.broadcast %jit3A_97 : i32 to vector<16xi32>
        %select_n3A_99 = arith.select %and3A_78, %select_n3A_47, %broadcast_in_dim3A_98 : vector<16xi1>, vector<16xi32>
        %swap3A_100 = arith.constant 0 : index
        %swap3A_101 = tpu.vector_load %arg10[%swap3A_100] {strides = array<i32>} : memref<16xi32, #tpu.memory_space<vmem>>, vector<16xi32>,
        tpu.vector_store %arg10[%swap3A_100], %select_n3A_99 {strides = array<i32>} : memref<16xi32, #tpu.memory_space<vmem>>, vector<16xi32>,
        %dma_start3A = arith.constant 0 : i32
        %dma_start3A_102 = arith.constant 0 : i32
        %dma_start3A_103 = tpu.memref_slice %arg5[%dma_start3A, %dma_start3A_102] : memref<1000000x16xf32, #tpu.memory_space<hbm>> -> memref<1000000x16xf32, #tpu.memory_space<hbm>>
        tpu.enqueue_indirect_dma source(%dma_start3A_103 : memref<1000000x16xf32, #tpu.memory_space<hbm>>) target(%arg11 : memref<16x16xf32, #tpu.memory_space<vmem>>) offsets(%arg9 : memref<16xi32, #tpu.memory_space<vmem>>) semaphore(%arg13 : memref<!tpu.dma_semaphore, #tpu.memory_space<semaphore_mem>>)
        %dma_start3A_104 = arith.constant 0 : i32
        %dma_start3A_105 = arith.constant 0 : i32
        %dma_start3A_106 = tpu.memref_slice %arg4[%dma_start3A_104, %dma_start3A_105] : memref<16384x16xf32, #tpu.memory_space<hbm>> -> memref<16384x16xf32, #tpu.memory_space<hbm>>
        tpu.enqueue_indirect_dma source(%dma_start3A_106 : memref<16384x16xf32, #tpu.memory_space<hbm>>) target(%arg12 : memref<16x16xf32, #tpu.memory_space<vmem>>) offsets(%arg10 : memref<16xi32, #tpu.memory_space<vmem>>) semaphore(%arg14 : memref<!tpu.dma_semaphore, #tpu.memory_space<semaphore_mem>>)
        %dma_wait3A = arith.constant 0 : i32
        %dma_wait3A_107 = arith.constant 0 : i32
        %dma_wait3A_108 = tpu.memref_slice %arg5[%dma_wait3A, %dma_wait3A_107] : memref<1000000x16xf32, #tpu.memory_space<hbm>> -> memref<1000000x16xf32, #tpu.memory_space<hbm>>
        tpu.wait_indirect_dma semaphore(%arg13 : memref<!tpu.dma_semaphore, #tpu.memory_space<semaphore_mem>>) src(%dma_wait3A_108 : memref<1000000x16xf32, #tpu.memory_space<hbm>>) dst(%arg11 : memref<16x16xf32, #tpu.memory_space<vmem>>)
        %dma_wait3A_109 = arith.constant 0 : i32
        %dma_wait3A_110 = arith.constant 0 : i32
        %dma_wait3A_111 = tpu.memref_slice %arg4[%dma_wait3A_109, %dma_wait3A_110] : memref<16384x16xf32, #tpu.memory_space<hbm>> -> memref<16384x16xf32, #tpu.memory_space<hbm>>
        tpu.wait_indirect_dma semaphore(%arg14 : memref<!tpu.dma_semaphore, #tpu.memory_space<semaphore_mem>>) src(%dma_wait3A_111 : memref<16384x16xf32, #tpu.memory_space<hbm>>) dst(%arg12 : memref<16x16xf32, #tpu.memory_space<vmem>>)
        %not3A = arith.constant dense<true> : vector<16xi1>
        %not3A_112 = arith.xori %and3A_78, %not3A : vector<16xi1>
        %broadcast_in_dim3A_113 = arith.constant 0 : i32
        %broadcast_in_dim3A_114 = vector.broadcast %broadcast_in_dim3A_113 : i32 to vector<16xi32>
        %gather3A_115 = tpu.vector_load_idx %arg12[%iota3A, %broadcast_in_dim3A_114] : memref<16x16xf32, #tpu.memory_space<vmem>>[vector<16xi32>, vector<16xi32>], vector<16xf32>,
        tpu.vector_store_idx %arg11[%iota3A, %broadcast_in_dim3A_114], %gather3A_115 masked %and3A_78 {add = true} : memref<16x16xf32, #tpu.memory_space<vmem>>[vector<16xi32>, vector<16xi32>], vector<16xf32>, vector<16xi1>
        %gather3A_116 = tpu.vector_load_idx %arg11[%add3A_92, %broadcast_in_dim3A_114] : memref<16x16xf32, #tpu.memory_space<vmem>>[vector<16xi32>, vector<16xi32>], vector<16xf32>,
        tpu.vector_store_idx %arg11[%iota3A, %broadcast_in_dim3A_114], %gather3A_116 masked %not3A_112 : memref<16x16xf32, #tpu.memory_space<vmem>>[vector<16xi32>, vector<16xi32>], vector<16xf32>, vector<16xi1>
        %broadcast_in_dim3A_117 = arith.constant 1 : i32
        %broadcast_in_dim3A_118 = vector.broadcast %broadcast_in_dim3A_117 : i32 to vector<16xi32>
        %gather3A_119 = tpu.vector_load_idx %arg12[%iota3A, %broadcast_in_dim3A_118] : memref<16x16xf32, #tpu.memory_space<vmem>>[vector<16xi32>, vector<16xi32>], vector<16xf32>,
        tpu.vector_store_idx %arg11[%iota3A, %broadcast_in_dim3A_118], %gather3A_119 masked %and3A_78 {add = true} : memref<16x16xf32, #tpu.memory_space<vmem>>[vector<16xi32>, vector<16xi32>], vector<16xf32>, vector<16xi1>
        %gather3A_120 = tpu.vector_load_idx %arg11[%add3A_92, %broadcast_in_dim3A_118] : memref<16x16xf32, #tpu.memory_space<vmem>>[vector<16xi32>, vector<16xi32>], vector<16xf32>,
        tpu.vector_store_idx %arg11[%iota3A, %broadcast_in_dim3A_118], %gather3A_120 masked %not3A_112 : memref<16x16xf32, #tpu.memory_space<vmem>>[vector<16xi32>, vector<16xi32>], vector<16xf32>, vector<16xi1>
        %broadcast_in_dim3A_121 = arith.constant 2 : i32
        %broadcast_in_dim3A_122 = vector.broadcast %broadcast_in_dim3A_121 : i32 to vector<16xi32>
        %gather3A_123 = tpu.vector_load_idx %arg12[%iota3A, %broadcast_in_dim3A_122] : memref<16x16xf32, #tpu.memory_space<vmem>>[vector<16xi32>, vector<16xi32>], vector<16xf32>,
        tpu.vector_store_idx %arg11[%iota3A, %broadcast_in_dim3A_122], %gather3A_123 masked %and3A_78 {add = true} : memref<16x16xf32, #tpu.memory_space<vmem>>[vector<16xi32>, vector<16xi32>], vector<16xf32>, vector<16xi1>
        %gather3A_124 = tpu.vector_load_idx %arg11[%add3A_92, %broadcast_in_dim3A_122] : memref<16x16xf32, #tpu.memory_space<vmem>>[vector<16xi32>, vector<16xi32>], vector<16xf32>,
        tpu.vector_store_idx %arg11[%iota3A, %broadcast_in_dim3A_122], %gather3A_124 masked %not3A_112 : memref<16x16xf32, #tpu.memory_space<vmem>>[vector<16xi32>, vector<16xi32>], vector<16xf32>, vector<16xi1>
        %broadcast_in_dim3A_125 = arith.constant 3 : i32
        %broadcast_in_dim3A_126 = vector.broadcast %broadcast_in_dim3A_125 : i32 to vector<16xi32>
        %gather3A_127 = tpu.vector_load_idx %arg12[%iota3A, %broadcast_in_dim3A_126] : memref<16x16xf32, #tpu.memory_space<vmem>>[vector<16xi32>, vector<16xi32>], vector<16xf32>,
        tpu.vector_store_idx %arg11[%iota3A, %broadcast_in_dim3A_126], %gather3A_127 masked %and3A_78 {add = true} : memref<16x16xf32, #tpu.memory_space<vmem>>[vector<16xi32>, vector<16xi32>], vector<16xf32>, vector<16xi1>
        %gather3A_128 = tpu.vector_load_idx %arg11[%add3A_92, %broadcast_in_dim3A_126] : memref<16x16xf32, #tpu.memory_space<vmem>>[vector<16xi32>, vector<16xi32>], vector<16xf32>,
        tpu.vector_store_idx %arg11[%iota3A, %broadcast_in_dim3A_126], %gather3A_128 masked %not3A_112 : memref<16x16xf32, #tpu.memory_space<vmem>>[vector<16xi32>, vector<16xi32>], vector<16xf32>, vector<16xi1>
        %broadcast_in_dim3A_129 = arith.constant 4 : i32
        %broadcast_in_dim3A_130 = vector.broadcast %broadcast_in_dim3A_129 : i32 to vector<16xi32>
        %gather3A_131 = tpu.vector_load_idx %arg12[%iota3A, %broadcast_in_dim3A_130] : memref<16x16xf32, #tpu.memory_space<vmem>>[vector<16xi32>, vector<16xi32>], vector<16xf32>,
        tpu.vector_store_idx %arg11[%iota3A, %broadcast_in_dim3A_130], %gather3A_131 masked %and3A_78 {add = true} : memref<16x16xf32, #tpu.memory_space<vmem>>[vector<16xi32>, vector<16xi32>], vector<16xf32>, vector<16xi1>
        %gather3A_132 = tpu.vector_load_idx %arg11[%add3A_92, %broadcast_in_dim3A_130] : memref<16x16xf32, #tpu.memory_space<vmem>>[vector<16xi32>, vector<16xi32>], vector<16xf32>,
        tpu.vector_store_idx %arg11[%iota3A, %broadcast_in_dim3A_130], %gather3A_132 masked %not3A_112 : memref<16x16xf32, #tpu.memory_space<vmem>>[vector<16xi32>, vector<16xi32>], vector<16xf32>, vector<16xi1>
        %broadcast_in_dim3A_133 = arith.constant 5 : i32
        %broadcast_in_dim3A_134 = vector.broadcast %broadcast_in_dim3A_133 : i32 to vector<16xi32>
        %gather3A_135 = tpu.vector_load_idx %arg12[%iota3A, %broadcast_in_dim3A_134] : memref<16x16xf32, #tpu.memory_space<vmem>>[vector<16xi32>, vector<16xi32>], vector<16xf32>,
        tpu.vector_store_idx %arg11[%iota3A, %broadcast_in_dim3A_134], %gather3A_135 masked %and3A_78 {add = true} : memref<16x16xf32, #tpu.memory_space<vmem>>[vector<16xi32>, vector<16xi32>], vector<16xf32>, vector<16xi1>
        %gather3A_136 = tpu.vector_load_idx %arg11[%add3A_92, %broadcast_in_dim3A_134] : memref<16x16xf32, #tpu.memory_space<vmem>>[vector<16xi32>, vector<16xi32>], vector<16xf32>,
        tpu.vector_store_idx %arg11[%iota3A, %broadcast_in_dim3A_134], %gather3A_136 masked %not3A_112 : memref<16x16xf32, #tpu.memory_space<vmem>>[vector<16xi32>, vector<16xi32>], vector<16xf32>, vector<16xi1>
        %broadcast_in_dim3A_137 = arith.constant 6 : i32
        %broadcast_in_dim3A_138 = vector.broadcast %broadcast_in_dim3A_137 : i32 to vector<16xi32>
        %gather3A_139 = tpu.vector_load_idx %arg12[%iota3A, %broadcast_in_dim3A_138] : memref<16x16xf32, #tpu.memory_space<vmem>>[vector<16xi32>, vector<16xi32>], vector<16xf32>,
        tpu.vector_store_idx %arg11[%iota3A, %broadcast_in_dim3A_138], %gather3A_139 masked %and3A_78 {add = true} : memref<16x16xf32, #tpu.memory_space<vmem>>[vector<16xi32>, vector<16xi32>], vector<16xf32>, vector<16xi1>
        %gather3A_140 = tpu.vector_load_idx %arg11[%add3A_92, %broadcast_in_dim3A_138] : memref<16x16xf32, #tpu.memory_space<vmem>>[vector<16xi32>, vector<16xi32>], vector<16xf32>,
        tpu.vector_store_idx %arg11[%iota3A, %broadcast_in_dim3A_138], %gather3A_140 masked %not3A_112 : memref<16x16xf32, #tpu.memory_space<vmem>>[vector<16xi32>, vector<16xi32>], vector<16xf32>, vector<16xi1>
        %broadcast_in_dim3A_141 = arith.constant 7 : i32
        %broadcast_in_dim3A_142 = vector.broadcast %broadcast_in_dim3A_141 : i32 to vector<16xi32>
        %gather3A_143 = tpu.vector_load_idx %arg12[%iota3A, %broadcast_in_dim3A_142] : memref<16x16xf32, #tpu.memory_space<vmem>>[vector<16xi32>, vector<16xi32>], vector<16xf32>,
        tpu.vector_store_idx %arg11[%iota3A, %broadcast_in_dim3A_142], %gather3A_143 masked %and3A_78 {add = true} : memref<16x16xf32, #tpu.memory_space<vmem>>[vector<16xi32>, vector<16xi32>], vector<16xf32>, vector<16xi1>
        %gather3A_144 = tpu.vector_load_idx %arg11[%add3A_92, %broadcast_in_dim3A_142] : memref<16x16xf32, #tpu.memory_space<vmem>>[vector<16xi32>, vector<16xi32>], vector<16xf32>,
        tpu.vector_store_idx %arg11[%iota3A, %broadcast_in_dim3A_142], %gather3A_144 masked %not3A_112 : memref<16x16xf32, #tpu.memory_space<vmem>>[vector<16xi32>, vector<16xi32>], vector<16xf32>, vector<16xi1>
        %broadcast_in_dim3A_145 = arith.constant 8 : i32
        %broadcast_in_dim3A_146 = vector.broadcast %broadcast_in_dim3A_145 : i32 to vector<16xi32>
        %gather3A_147 = tpu.vector_load_idx %arg12[%iota3A, %broadcast_in_dim3A_146] : memref<16x16xf32, #tpu.memory_space<vmem>>[vector<16xi32>, vector<16xi32>], vector<16xf32>,
        tpu.vector_store_idx %arg11[%iota3A, %broadcast_in_dim3A_146], %gather3A_147 masked %and3A_78 {add = true} : memref<16x16xf32, #tpu.memory_space<vmem>>[vector<16xi32>, vector<16xi32>], vector<16xf32>, vector<16xi1>
        %gather3A_148 = tpu.vector_load_idx %arg11[%add3A_92, %broadcast_in_dim3A_146] : memref<16x16xf32, #tpu.memory_space<vmem>>[vector<16xi32>, vector<16xi32>], vector<16xf32>,
        tpu.vector_store_idx %arg11[%iota3A, %broadcast_in_dim3A_146], %gather3A_148 masked %not3A_112 : memref<16x16xf32, #tpu.memory_space<vmem>>[vector<16xi32>, vector<16xi32>], vector<16xf32>, vector<16xi1>
        %broadcast_in_dim3A_149 = arith.constant 9 : i32
        %broadcast_in_dim3A_150 = vector.broadcast %broadcast_in_dim3A_149 : i32 to vector<16xi32>
        %gather3A_151 = tpu.vector_load_idx %arg12[%iota3A, %broadcast_in_dim3A_150] : memref<16x16xf32, #tpu.memory_space<vmem>>[vector<16xi32>, vector<16xi32>], vector<16xf32>,
        tpu.vector_store_idx %arg11[%iota3A, %broadcast_in_dim3A_150], %gather3A_151 masked %and3A_78 {add = true} : memref<16x16xf32, #tpu.memory_space<vmem>>[vector<16xi32>, vector<16xi32>], vector<16xf32>, vector<16xi1>
        %gather3A_152 = tpu.vector_load_idx %arg11[%add3A_92, %broadcast_in_dim3A_150] : memref<16x16xf32, #tpu.memory_space<vmem>>[vector<16xi32>, vector<16xi32>], vector<16xf32>,
        tpu.vector_store_idx %arg11[%iota3A, %broadcast_in_dim3A_150], %gather3A_152 masked %not3A_112 : memref<16x16xf32, #tpu.memory_space<vmem>>[vector<16xi32>, vector<16xi32>], vector<16xf32>, vector<16xi1>
        %broadcast_in_dim3A_153 = arith.constant 10 : i32
        %broadcast_in_dim3A_154 = vector.broadcast %broadcast_in_dim3A_153 : i32 to vector<16xi32>
        %gather3A_155 = tpu.vector_load_idx %arg12[%iota3A, %broadcast_in_dim3A_154] : memref<16x16xf32, #tpu.memory_space<vmem>>[vector<16xi32>, vector<16xi32>], vector<16xf32>,
        tpu.vector_store_idx %arg11[%iota3A, %broadcast_in_dim3A_154], %gather3A_155 masked %and3A_78 {add = true} : memref<16x16xf32, #tpu.memory_space<vmem>>[vector<16xi32>, vector<16xi32>], vector<16xf32>, vector<16xi1>
        %gather3A_156 = tpu.vector_load_idx %arg11[%add3A_92, %broadcast_in_dim3A_154] : memref<16x16xf32, #tpu.memory_space<vmem>>[vector<16xi32>, vector<16xi32>], vector<16xf32>,
        tpu.vector_store_idx %arg11[%iota3A, %broadcast_in_dim3A_154], %gather3A_156 masked %not3A_112 : memref<16x16xf32, #tpu.memory_space<vmem>>[vector<16xi32>, vector<16xi32>], vector<16xf32>, vector<16xi1>
        %broadcast_in_dim3A_157 = arith.constant 11 : i32
        %broadcast_in_dim3A_158 = vector.broadcast %broadcast_in_dim3A_157 : i32 to vector<16xi32>
        %gather3A_159 = tpu.vector_load_idx %arg12[%iota3A, %broadcast_in_dim3A_158] : memref<16x16xf32, #tpu.memory_space<vmem>>[vector<16xi32>, vector<16xi32>], vector<16xf32>,
        tpu.vector_store_idx %arg11[%iota3A, %broadcast_in_dim3A_158], %gather3A_159 masked %and3A_78 {add = true} : memref<16x16xf32, #tpu.memory_space<vmem>>[vector<16xi32>, vector<16xi32>], vector<16xf32>, vector<16xi1>
        %gather3A_160 = tpu.vector_load_idx %arg11[%add3A_92, %broadcast_in_dim3A_158] : memref<16x16xf32, #tpu.memory_space<vmem>>[vector<16xi32>, vector<16xi32>], vector<16xf32>,
        tpu.vector_store_idx %arg11[%iota3A, %broadcast_in_dim3A_158], %gather3A_160 masked %not3A_112 : memref<16x16xf32, #tpu.memory_space<vmem>>[vector<16xi32>, vector<16xi32>], vector<16xf32>, vector<16xi1>
        %broadcast_in_dim3A_161 = arith.constant 12 : i32
        %broadcast_in_dim3A_162 = vector.broadcast %broadcast_in_dim3A_161 : i32 to vector<16xi32>
        %gather3A_163 = tpu.vector_load_idx %arg12[%iota3A, %broadcast_in_dim3A_162] : memref<16x16xf32, #tpu.memory_space<vmem>>[vector<16xi32>, vector<16xi32>], vector<16xf32>,
        tpu.vector_store_idx %arg11[%iota3A, %broadcast_in_dim3A_162], %gather3A_163 masked %and3A_78 {add = true} : memref<16x16xf32, #tpu.memory_space<vmem>>[vector<16xi32>, vector<16xi32>], vector<16xf32>, vector<16xi1>
        %gather3A_164 = tpu.vector_load_idx %arg11[%add3A_92, %broadcast_in_dim3A_162] : memref<16x16xf32, #tpu.memory_space<vmem>>[vector<16xi32>, vector<16xi32>], vector<16xf32>,
        tpu.vector_store_idx %arg11[%iota3A, %broadcast_in_dim3A_162], %gather3A_164 masked %not3A_112 : memref<16x16xf32, #tpu.memory_space<vmem>>[vector<16xi32>, vector<16xi32>], vector<16xf32>, vector<16xi1>
        %broadcast_in_dim3A_165 = arith.constant 13 : i32
        %broadcast_in_dim3A_166 = vector.broadcast %broadcast_in_dim3A_165 : i32 to vector<16xi32>
        %gather3A_167 = tpu.vector_load_idx %arg12[%iota3A, %broadcast_in_dim3A_166] : memref<16x16xf32, #tpu.memory_space<vmem>>[vector<16xi32>, vector<16xi32>], vector<16xf32>,
        tpu.vector_store_idx %arg11[%iota3A, %broadcast_in_dim3A_166], %gather3A_167 masked %and3A_78 {add = true} : memref<16x16xf32, #tpu.memory_space<vmem>>[vector<16xi32>, vector<16xi32>], vector<16xf32>, vector<16xi1>
        %gather3A_168 = tpu.vector_load_idx %arg11[%add3A_92, %broadcast_in_dim3A_166] : memref<16x16xf32, #tpu.memory_space<vmem>>[vector<16xi32>, vector<16xi32>], vector<16xf32>,
        tpu.vector_store_idx %arg11[%iota3A, %broadcast_in_dim3A_166], %gather3A_168 masked %not3A_112 : memref<16x16xf32, #tpu.memory_space<vmem>>[vector<16xi32>, vector<16xi32>], vector<16xf32>, vector<16xi1>
        %broadcast_in_dim3A_169 = arith.constant 14 : i32
        %broadcast_in_dim3A_170 = vector.broadcast %broadcast_in_dim3A_169 : i32 to vector<16xi32>
        %gather3A_171 = tpu.vector_load_idx %arg12[%iota3A, %broadcast_in_dim3A_170] : memref<16x16xf32, #tpu.memory_space<vmem>>[vector<16xi32>, vector<16xi32>], vector<16xf32>,
        tpu.vector_store_idx %arg11[%iota3A, %broadcast_in_dim3A_170], %gather3A_171 masked %and3A_78 {add = true} : memref<16x16xf32, #tpu.memory_space<vmem>>[vector<16xi32>, vector<16xi32>], vector<16xf32>, vector<16xi1>
        %gather3A_172 = tpu.vector_load_idx %arg11[%add3A_92, %broadcast_in_dim3A_170] : memref<16x16xf32, #tpu.memory_space<vmem>>[vector<16xi32>, vector<16xi32>], vector<16xf32>,
        tpu.vector_store_idx %arg11[%iota3A, %broadcast_in_dim3A_170], %gather3A_172 masked %not3A_112 : memref<16x16xf32, #tpu.memory_space<vmem>>[vector<16xi32>, vector<16xi32>], vector<16xf32>, vector<16xi1>
        %broadcast_in_dim3A_173 = arith.constant 15 : i32
        %broadcast_in_dim3A_174 = vector.broadcast %broadcast_in_dim3A_173 : i32 to vector<16xi32>
        %gather3A_175 = tpu.vector_load_idx %arg12[%iota3A, %broadcast_in_dim3A_174] : memref<16x16xf32, #tpu.memory_space<vmem>>[vector<16xi32>, vector<16xi32>], vector<16xf32>,
        tpu.vector_store_idx %arg11[%iota3A, %broadcast_in_dim3A_174], %gather3A_175 masked %and3A_78 {add = true} : memref<16x16xf32, #tpu.memory_space<vmem>>[vector<16xi32>, vector<16xi32>], vector<16xf32>, vector<16xi1>
        %gather3A_176 = tpu.vector_load_idx %arg11[%add3A_92, %broadcast_in_dim3A_174] : memref<16x16xf32, #tpu.memory_space<vmem>>[vector<16xi32>, vector<16xi32>], vector<16xf32>,
        tpu.vector_store_idx %arg11[%iota3A, %broadcast_in_dim3A_174], %gather3A_176 masked %not3A_112 : memref<16x16xf32, #tpu.memory_space<vmem>>[vector<16xi32>, vector<16xi32>], vector<16xf32>, vector<16xi1>
        %dma_start3A_177 = arith.constant 0 : i32
        %dma_start3A_178 = arith.constant 0 : i32
        %dma_start3A_179 = tpu.memref_slice %arg5[%dma_start3A_177, %dma_start3A_178] : memref<1000000x16xf32, #tpu.memory_space<hbm>> -> memref<1000000x16xf32, #tpu.memory_space<hbm>>
        tpu.enqueue_indirect_dma source(%arg11 : memref<16x16xf32, #tpu.memory_space<vmem>>) target(%dma_start3A_179 : memref<1000000x16xf32, #tpu.memory_space<hbm>>) offsets(%arg9 : memref<16xi32, #tpu.memory_space<vmem>>) semaphore(%arg13 : memref<!tpu.dma_semaphore, #tpu.memory_space<semaphore_mem>>)
        %dma_wait3A_180 = arith.constant 0 : i32
        %dma_wait3A_181 = arith.constant 0 : i32
        %dma_wait3A_182 = tpu.memref_slice %arg5[%dma_wait3A_180, %dma_wait3A_181] : memref<1000000x16xf32, #tpu.memory_space<hbm>> -> memref<1000000x16xf32, #tpu.memory_space<hbm>>
        tpu.wait_indirect_dma semaphore(%arg13 : memref<!tpu.dma_semaphore, #tpu.memory_space<semaphore_mem>>) src(%arg11 : memref<16x16xf32, #tpu.memory_space<vmem>>) dst(%dma_wait3A_182 : memref<1000000x16xf32, #tpu.memory_space<hbm>>)
        %while3A_183 = arith.constant 0 : i32
        scf.yield %while3A_183 : i32
      }
      %while3A_74 = arith.constant 0 : i32
      scf.yield %while3A_74 : i32
    }
    return
  }
}

</mosaic_0001>

<sc_bundles>
// kernel: kernel.3.cloned.1.call-start
scs
__scs_entry_jumppad:
0x0: {  	(pc) =	sbr.rel $0x88, $3  }
0x1: {  	(tag) =	ssettag $0x0;
	lr =	simm.s32 $0x1  }
0x2: {  	[smem:$0x3F9E] =	sst lr;
	_ =	strace $0xD0000000  }
0x3: {  	_ = 	snop  }
0x4: {  	_ = 	snop  }
0x5: {  	_ = 	snop  }
0x6: {  	_ = 	snop  }
0x7: {  	_ = 	snop  }
__scs_overlays_trampoline_lowered:
0x8: {  	[smem:$0x3FAD] =	sst s0  }
0x9: {  	[smem:$0x3FAE] =	sst s1  }
0xa: {  	[smem:$0x3FAF] =	sst s2  }
0xb: {  	[smem:$0x3FB0] =	sst s3  }
0xc: {  	[smem:$0x3FB1] =	sst s4  }
0xd: {  	[smem:$0x3FB2] =	sst s5  }
0xe: {  	[smem:$0x3FB3] =	sst s6  }
0xf: {  	[smem:$0x3FB4] =	sst s7  }
0x10: {  	[smem:$0x3FB5] =	sst s8  }
0x11: {  	[smem:$0x3FB6] =	sst s9;
	s0 =	simm.s32 @!p0 $0x0  }
0x12: {  	s1 =	sld [smem:$0x3F9C];
	s0 =	simm.s32 @p0 $0x1  }
0x13: {  	[smem:$0x3FB7] =	sst s0;
	s0 =	simm.s32 @!p1 $0x0  }
0x14: {  	s2 =	sld [smem:$0x3F9B];
	s0 =	simm.s32 @p1 $0x1  }
0x15: {  	[smem:$0x3FB8] =	sst s0;
	s0 =	simm.s32 @!p2 $0x0  }
0x16: {  	s3 =	sld [smem:$0x3FDB];
	s0 =	simm.s32 @p2 $0x1  }
0x17: {  	s4 =	simm.s32 $0x1BF5;
	[smem:$0x3FBA] =	sst s0  }
0x18: {  	s0 =	sld [smem:$0x3F9D];
	_ =	swait.ge [sflag:s4], $0x0  }
0x19: {  	s7 =	sld [smem:$0x3F9E]  }
0x1a: {  	s8 =	sadd.s32 $0xFFFFE003, lr  }
0x1b: {  	s9 =	sadd.s32 $0xFFFFFEF7, lr;
	s5 =	simm.s32 $0xFFFFFFFF;
	p2 =	slt.u32 s8, $0xFFFFF086  }
0x1c: {  	p1 =	slt.u32 s9, $0xF7A;
	s5 =	simm.s32 @!p2 $0x0  }
0x1d: {  	s5 =	simm.s32 @p1 $0x1;
	p0 =	seq.s32 s7, s2  }
0x1e: {  	s7 =	smul.u32 @!p0 $0xF7A, s2;
	p2 =	seq.s32 @!p0 s5, $0x0  }
0x1f: {  	s9 =	smul.u32 $0xF7A, s1;
	s8 =	simm.s32 @!p0 $0x1BF5;
	p2 =	por !p2, p0  }
0x20: {  	[sflag:s8] =	ssyncset.s32 @!p0 $0xFFFFF086;
	s6 =	sadd.s32 @!p0 s3, s7;
	s7 =	simm.s32 @!p0 $0x108  }
0x21: {  	s3 =	sadd.s32 s3, s9;
	s6 =	sadd.s32 @!p0 $0x88, s6;
	s7 =	simm.s32 @p2 $0x1082  }
0x22: {  	[simem:s7], [sflag:s8] =	dma.local @!p0 [hbm:s6], $0xF7A  }
0x23: {  	s9 =	sor.u32 $0xD0000000, s2;
	s6 =	simm.s32 $0x108;
	_ =	swait.ge @!p0 [sflag:s8], $0x0  }
0x24: {  	s3 =	sadd.s32 $0x88, s3;
	s6 =	simm.s32 @!p1 $0x1082;
	[sflag:s4] =	ssyncset.s32 $0xFFFFF086  }
0x25: {  	[simem:s6], [sflag:s4] =	dma.local [hbm:s3], $0xF7A  }
0x26: {  	[smem:$0x3F9E] =	sst s1;
	(tag) =	ssettag s2;
	_ =	strace s9  }
0x27: {  	s1 =	sld [smem:$0x3FAE]  }
0x28: {  	s2 =	sld [smem:$0x3FAF]  }
0x29: {  	s4 =	sld [smem:$0x3FB1]  }
0x2a: {  	p0 =	seq.s32 s5, $0x0;
	s5 =	sld [smem:$0x3FB2]  }
0x2b: {  	s6 =	sld [smem:$0x3FB3]  }
0x2c: {  	s7 =	sld [smem:$0x3FB4]  }
0x2d: {  	s3 =	simm.s32 $0x108;
	s8 =	sld [smem:$0x3FB5]  }
0x2e: {  	s3 =	simm.s32 @!p0 $0x1082;
	s9 =	sld [smem:$0x3FB6]  }
0x2f: {  	lr =	sadd.s32 s0, s3;
	s0 =	sld [smem:$0x3FAD]  }
0x30: {  	s3 =	sld [smem:$0x3FB0]  }
0x31: {  	[smem:$0x3FB9] =	sst s10  }
0x32: {  	s10 =	sld [smem:$0x3FB7];
	_ =	sdelay $0x3  }
0x33: {  	p0 =	seq.s32 s10, $0x1;
	s10 =	sld [smem:$0x3FB9];
	_ =	sdelay $0x3  }
0x34: {  	[smem:$0x3FB9] =	sst s10  }
0x35: {  	s10 =	sld [smem:$0x3FB8];
	_ =	sdelay $0x3  }
0x36: {  	p1 =	seq.s32 s10, $0x1;
	s10 =	sld [smem:$0x3FB9];
	_ =	sdelay $0x3  }
0x37: {  	[smem:$0x3FB9] =	sst s10  }
0x38: {  	s10 =	sld [smem:$0x3FBA]  }
0x39: {  	_ = 	snop;
	(pc) =	sbr.ind lr, $3  }
0x3a: {  	_ = 	snop  }
0x3b: {  	_ = 	snop  }
0x3c: {  	p2 =	seq.s32 s10, $0x1;
	s10 =	sld [smem:$0x3FB9]  }
0x3d: {  	_ =	shalt  }
0x3e: {  	_ =	shalt  }
0x3f: {  	_ =	shalt  }
0x40: {  	_ =	shalt  }
0x41: {  	_ =	shalt  }
0x42: {  	_ =	shalt  }
0x43: {  	_ =	shalt  }
0x44: {  	_ =	shalt  }
0x45: {  	_ =	shalt  }
0x46: {  	_ =	shalt  }
0x47: {  	_ =	shalt  }
0x48: {  	_ =	shalt  }
0x49: {  	_ =	shalt  }
0x4a: {  	_ =	shalt  }
0x4b: {  	_ =	shalt  }
0x4c: {  	_ =	shalt  }
0x4d: {  	_ =	shalt  }
0x4e: {  	_ =	shalt  }
0x4f: {  	_ =	shalt  }
0x50: {  	_ =	shalt  }
0x51: {  	_ =	shalt  }
0x52: {  	_ =	shalt  }
0x53: {  	_ =	shalt  }
0x54: {  	_ =	shalt  }
0x55: {  	_ =	shalt  }
0x56: {  	_ =	shalt  }
0x57: {  	_ =	shalt  }
0x58: {  	_ =	shalt  }
0x59: {  	_ =	shalt  }
0x5a: {  	_ =	shalt  }
0x5b: {  	_ =	shalt  }
0x5c: {  	_ =	shalt  }
0x5d: {  	_ =	shalt  }
0x5e: {  	_ =	shalt  }
0x5f: {  	_ =	shalt  }
0x60: {  	_ =	shalt  }
0x61: {  	_ =	shalt  }
0x62: {  	_ =	shalt  }
0x63: {  	_ =	shalt  }
0x64: {  	_ =	shalt  }
0x65: {  	_ =	shalt  }
0x66: {  	_ =	shalt  }
0x67: {  	_ =	shalt  }
0x68: {  	_ =	shalt  }
0x69: {  	_ =	shalt  }
0x6a: {  	_ =	shalt  }
0x6b: {  	_ =	shalt  }
0x6c: {  	_ =	shalt  }
0x6d: {  	_ =	shalt  }
0x6e: {  	_ =	shalt  }
0x6f: {  	_ =	shalt  }
0x70: {  	_ =	shalt  }
0x71: {  	_ =	shalt  }
0x72: {  	_ =	shalt  }
0x73: {  	_ =	shalt  }
0x74: {  	_ =	shalt  }
0x75: {  	_ =	shalt  }
0x76: {  	_ =	shalt  }
0x77: {  	_ =	shalt  }
0x78: {  	_ =	shalt  }
0x79: {  	_ =	shalt  }
0x7a: {  	_ =	shalt  }
0x7b: {  	_ =	shalt  }
0x7c: {  	_ =	shalt  }
0x7d: {  	_ =	shalt  }
0x7e: {  	_ =	shalt  }
0x7f: {  	_ =	shalt  }
0x80: {  	_ =	shalt  }
0x81: {  	_ =	shalt  }
0x82: {  	_ =	shalt  }
0x83: {  	_ =	shalt  }
0x84: {  	_ =	shalt  }
0x85: {  	_ =	shalt  }
0x86: {  	_ =	shalt  }
0x87: {  	_ =	shalt  }
.Lfunc_end0:
.L_simem_size_0:
called_computation.1_lowered:
.L_overlay_start_0:
0x88: {  	s2 =	sld [smem:$0x3FD9]  }
0x89: {  	s3 =	sld [smem:$0x3FFE];
	_ =	sdelay $0x1  }
0x8a: {  	s1 =	srdreg.scid  }
0x8b: {  	s0 =	sand.u32 $0x1, s1  }
0x8c: {  	s17 =	sshll.u32 s0, $0xA;
	s2 =	sadd.s32 s3, s2  }
0x8d: {  	s2 =	sadd.s32 s2, s17  }
0x8e: {  	[smem:$0x3FC5] =	sst s2  }
0x8f: {  	_ = 	snop  }
0x90: {  	s2 =	sld [smem:$0x3FC8]  }
0x91: {  	s18 =	sld [smem:$0x3FD0];
	(tm) =	ssettm $0x1  }
0x92: {  	s4 =	sld [smem:$0x3FFB];
	_ =	sdelay $0x3  }
0x93: {  	_ =	strace s4  }
0x94: {  	s4 =	sld [smem:$0x3FFC];
	_ =	sdelay $0x3  }
0x95: {  	_ =	strace s4  }
0x96: {  	s4 =	sld [smem:$0x3FFD];
	_ =	sdelay $0x3  }
0x97: {  	_ =	strace s4  }
0x98: {  	_ =	strace $0x8FFFFFFF  }
0x99: {  	s19 =	sld [smem:$0x3FDB];
	_ =	sdelay $0x1  }
0x9a: {  	s5 =	simm.s32 $_scs_section_size  }
0x9b: {  	s6 =	simm.s32 $_size__tile_overlayer_lowered;
	s7 =	simm.s32 $_tile_overlayer_lowered  }
0x9c: {  	s22 =	simm.s32 $0x1BFF;
	s21 =	sshll.u32 s7, $0x1;
	s4 =	sadd.s32 s5, s19  }
0x9d: {  	s8 =	simm.s32 $0x0;
	s20 =	sshll.u32 s6, $0x1;
	s6 =	sadd.s32 s21, s4  }
0x9e: {  	[timem:s8], [sflag:s22] =	dma.local [hbm:s6], s20  }
0x9f: {  	_ =	swait.ge [sflag:s22], s20  }
0xa0: {  	s5 =	ssub.s32 $0x0, s20;
	[sflag:s22] =	ssyncset.done $0x0  }
0xa1: {  	[sflag:s22] =	ssyncadd.s32 s5;
	_ =	sdelay $0x1  }
0xa2: {  	s23 =	simm.s32 $0x1B8B  }
0xa3: {  	_ =	swait.ge [sflag:s23], $0x1  }
0xa4: {  	[sflag:s23] =	ssyncset.done $0x0  }
0xa5: {  	s25 =	simm.s32 $0x1B8E;
	s24 =	sld [smem:$0x3FFE];
	[sflag:s23] =	ssyncadd.s32 $0xFFFFFFFF  }
0xa6: {  	s26 =	simm.s32 $execute0_lowered;
	[smem:$0x3FD2] =	sst s25  }
0xa7: {  	s6 =	sshll.u32 s26, $0x1;
	_ =	strace $0x80000046;
	[dreg:$0x1] =	wrdreg $0xFFFFFFFF  }
0xa8: {  	s28 =	simm.s32 $_size_execute0_lowered;
	s4 =	sadd.s32 s4, s6;
	[dreg:$0x0] =	wrdreg $0x0  }
0xa9: {  	s6 =	sshll.u32 s28, $0x1;
	[dreg:$0x2] =	wrdreg s4  }
0xaa: {  	[dreg:$0x3] =	wrdreg s6  }
0xab: {  	[dreg:$0x4] =	wrdreg $0xC0  }
0xac: {  	_ =	task [dreg:s8], $0x5FFFF  }
0xad: {  	[dreg:$0x1] =	wrdreg $0xFFFFFFFF  }
0xae: {  	[dreg:$0x0] =	wrdreg $0x60  }
0xaf: {  	[dreg:$0x2] =	wrdreg s2  }
0xb0: {  	[dreg:$0x3] =	wrdreg s24  }
0xb1: {  	[dreg:$0x4] =	wrdreg s18  }
0xb2: {  	[dreg:$0x5] =	wrdreg $0x9  }
0xb3: {  	_ =	task.clear_ibuf [dreg:s8], $0x6FFFF;
	_ =	strace $0x90000046  }
0xb4: {  	s29 =	simm.s32 $0x9;
	_ =	strace $0x80000048  }
0xb5: {  	_ =	swait.ge [sflag:s29], $0x1  }
0xb6: {  	[sflag:s29] =	ssyncadd.s32 $0xFFFFFFFF  }
0xb7: {  	_ =	strace $0x90000048  }
0xb8: {  	_ =	sfence  }
0xb9: {  	s30 =	sld [smem:$0x0];
	_ =	sdelay $0x2  }
0xba: {  	s31 =	sshll.u32 s1, $0xD;
	s1 =	sshrl.u32 s1, $0x2  }
0xbb: {  	s3 =	sand.u32 $0x4000, s31;
	s1 =	sadd.s32 s1, s30  }
0xbc: {  	s0 =	sor.u32 s3, s0;
	s1 =	sshll.u32 s1, $0x11  }
0xbd: {  	s0 =	sor.u32 s1, s0  }
0xbe: {  	s0 =	sadd.s32 $0x8F2B, s0  }
0xbf: {  	[sflag:s0] =	ssyncadd.remote.s32 $0x1  }
0xc0: {  	_ =	sfence.sel $0xFFFF  }
0xc1: {  	[dreg:$0x0] =	wrdreg $0xFFFFFFFF;
	(pc) =	sbr.abs _section_cstart, $3  }
0xc2: {  	[dreg:$0x1] =	wrdreg $0xFFFFFFFF  }
0xc3: {  	_ =	task.clear_ibuf [dreg:s8], $0x2FFFF;
	_ =	strace $0x9FFFFFFF  }
0xc4: {  	(tm) =	ssettm $0x7FFFFFFF  }
0xc5: {  	_ =	shalt  }
tec
execute0_lowered:
.L_overlay_start_1:
0x0: {  	(tag) =	ssettag $0x1  }
0x1: {  	s1 =	rddreg [dreg:$0x0]  }
0x2: {  	s2 =	srdreg.scid;
	s0 =	stileid.u32  }
0x3: {  	s4 =	rddreg [dreg:$0x1];
	v0 =	vlaneseq.u32;
	s2 =	sand.u32 $0x1, s2;
	s5 =	sshll.u32 s0, $0x1  }
0x4: {  	s3 =	rddreg [dreg:$0x2];
	s8 =	simm.s32 $0x1;
	v1 =	vmul.u32 $0x10, v0;
	s5 =	sor.u32 s2, s5  }
0x5: {  	v3 =	vimm.s32 $0x0;
	s9 =	simm.s32 $0x8000;
	s10 =	simm.s32 $0x10;
	s11 =	simm.s32 $0x8010;
	v4 =	vor.u32 $0x80000000, v0;
	v2 =	vmov s5  }
.Ltmp0:
0x6: {  	s12 =	simm.s32 $0x8030;
	s13 =	simm.s32 $0x8020;
	v5 =	vor.u32 $0x1, v1;
	v6 =	vor.u32 $0x2, v1;
	v7 =	vor.u32 $0x3, v1;
	(pc) =	sbr.rel .LBB2_1-.Ltmp0, $4  }
0x7: {  	s14 =	simm.s32 $0x8130;
	s15 =	simm.s32 $0x2;
	s6 =	ssub.s32 $0x2, s2;
	v8 =	vor.u32 $0x4, v1;
	v9 =	vor.u32 $0x5, v1;
	v10 =	vor.u32 $0x6, v1  }
0x8: {  	s16 =	simm.s32 $0x0;
	s4 =	sadd.s32 $0xA00, s4;
	s7 =	sshrl.u32 s6, $0x1;
	v11 =	vor.u32 $0x7, v1;
	v12 =	vor.u32 $0x8, v1;
	v13 =	vor.u32 $0x9, v1  }
0x9: {  	s2 =	rddreg [dreg:$0x3];
	_ =	strace $0x80000047;
	v14 =	vor.u32 $0xA, v1;
	v15 =	vor.u32 $0xB, v1;
	v16 =	vor.u32 $0xC, v1;
	s31 =	ssub.s32 s6, s7  }
0xa: {  	v17 =	vor.u32 $0xD, v1;
	v18 =	vor.u32 $0xE, v1;
	v19 =	vor.u32 $0xF, v1;
	s6 =	simm.s32 $0x0;
	s7 =	simm.s32 $0x3;
	s5 =	smax.u32 s31, $0x1  }
.LBB2_11:
0xb: {  	s16 =	sadd.s32 $0x1, s16  }
0xc: {  	p0 =	sne.s32 s16, s5  }
.Ltmp1:
0xd: {  	_ = 	snop;
	(pc) =	sbr.rel @!p0 .LBB2_12-.Ltmp1, $1  }
0xe: {  	_ =	sdelay $0x3  }
.LBB2_1:
0xf: {  	[tilespmem:s6], [sflag:$0x3] =	stream.linear.gather [hbm4b:s1+s6], $0x4000, $0x38;
	[tilespmem:$0x8230] =	vst v63  }
0x10: {  	_ =	swait.ge [sflag:s7], $0x4000  }
0x11: {  	[sflag:s7] =	ssyncset.done $0x0  }
0x12: {  	[sflag:s7] =	ssyncadd.s32 $0xFFFFC000  }
0x13: {  	v20 =	vld [tilespmem:s6+$0x0];
	_ =	sdelay $0x4  }
0x14: {  	v20 =	vand.u32 $0x1F, v20  }
0x15: {  	vm0 =	veq.s32 v20, v2  }
0x16: {  	v20 =	vsel vm0, $0x1, v3  }
0x17: {  	(xrf0) =	vadd.scan.msk.s32 $0xffff, v20;
	_ =	sdelay $0x5  }
0x18: {  	v21, _, _ =	vpop (xrf0)  }
0x19: {  	v20 =	vor.u32 s6, v0;
	(v2sf) =	vpush v21, $0xF  }
0x1a: {  	s18 =	simm.s32 $0x10;
	[tilespmem:s6+$0x4000] =	vst.msk vm0, v20  }
0x1b: {  	s19 =	simm.s32 $0x20;
	s17 =	simm.s32 $0x0;
	s20 =	simm.s32 $0x10;
	v20 =	vld [tilespmem:s18+$0x0]  }
.LBB2_2:
0x1c: {  	p0 =	sne.s32 s19, $0x3FF0;
	_ =	sdelay $0x3  }
0x1d: {  	v20 =	vand.u32 $0x1F, v20  }
0x1e: {  	vm0 =	veq.s32 v20, v2  }
0x1f: {  	v20 =	vsel vm0, $0x1, v3  }
0x20: {  	(xrf0) =	vadd.scan.msk.s32 $0xffff, v20;
	_ =	sdelay $0x4  }
.Ltmp2:
0x21: {  	s21 =	spop (v2sf);
	(pc) =	sbr.rel @p0 .LBB2_2-.Ltmp2, $4  }
0x22: {  	v20 =	vor.u32 s18, v0;
	s18 =	smov.u32 s19;
	v21, _, _ =	vpop (xrf0);
	s17 =	sadd.s32 s17, s21  }
0x23: {  	[tilespmem:s17+$0x4000] =	vst.msk vm0, v20;
	(v2sf) =	vpush v21, $0xF  }
0x24: {  	s20 =	sadd.s32 $0x10, s20  }
0x25: {  	s19 =	sadd.s32 $0x10, s19;
	v20 =	vld [tilespmem:s20+$0x0]  }
0x26: {  	_ =	sdelay $0x3  }
0x27: {  	v20 =	vand.u32 $0x1F, v20  }
0x28: {  	vm0 =	veq.s32 v20, v2  }
0x29: {  	v20 =	vsel vm0, $0x1, v3  }
0x2a: {  	(xrf0) =	vadd.scan.msk.s32 $0xffff, v20;
	_ =	sdelay $0x5  }
0x2b: {  	v20, _, _ =	vpop (xrf0)  }
0x2c: {  	(v2sf) =	vpush v20, $0xF;
	_ =	sdelay $0xd  }
0x2d: {  	s19 =	spop (v2sf)  }
0x2e: {  	s20 =	sadd.s32 s17, s19;
	s30 =	spop (v2sf)  }
0x2f: {  	s19 =	sadd.s32 s20, s30  }
0x30: {  	s17 =	sadd.s32 $0xF, s19  }
0x31: {  	s21 =	sand.u32 $0xF, s17  }
0x32: {  	s31 =	sshra.s32 s17, $0x1F;
	p1 =	slt.s32 s17, $0x1;
	p0 =	sne.s32 s21, $0x0  }
0x33: {  	s21 =	sshrl.u32 s31, $0x1C;
	p0 =	por !p1, !p0  }
0x34: {  	s17 =	sadd.s32 s21, s17;
	s21 =	simm.s32 $0x1;
	p0 =	por !p0, !p0  }
0x35: {  	s17 =	sshra.s32 s17, $0x4;
	s21 =	simm.s32 @!p0 $0x0  }
0x36: {  	s17 =	ssub.s32 s17, s21  }
0x37: {  	p0 =	slt.s32 s17, $0x1  }
.Ltmp3:
0x38: {  	_ = 	snop;
	(pc) =	sbr.rel @p0 .LBB2_11-.Ltmp3, $3  }
0x39: {  	_ =	sdelay $0x1  }
0x3a: {  	v20 =	vor.u32 s18, v0  }
0x3b: {  	[tilespmem:s20+$0x4000] =	vst.msk vm0, v20  }
.Ltmp4:
0x3c: {  	(pc) =	sbr.rel .LBB2_5-.Ltmp4, $2  }
0x3d: {  	_ =	sdelay $0x2  }
0x3e: {  	v20 =	vmov s19;
	s18 =	simm.s32 $0x0  }
.LBB2_9:
0x3f: {  	_ =	sdelay $0x2  }
0x40: {  	[sflag:s8] =	ssyncadd.s32 @p0 $0xFFFFFF00  }
0x41: {  	v23 =	vld.idx.msk [tilespmem:v24+s9+$0x0], $0xffff;
	_ =	sdelay $0x3  }
0x42: {  	v21 =	vnsel vm0, $0x0, v21  }
0x43: {  	[tilespmem:$0x8020] =	vst v21;
	v22 =	vsel vm0, v22, v23  }
0x44: {  	[tilespmem:$0x8010] =	vst v22  }
0x45: {  	[tilespmem:s12], [sflag:$0x1] =	stream.indirect.gather [hbm4b:s3+s10], $0x10, s11, s10, $0xb8;
	[tilespmem:$0x8230] =	vst v63  }
0x46: {  	_ = 	snop  }
0x47: {  	[tilespmem:s14], [sflag:$0x2] =	stream.indirect.gather [hbm4b:s4+s10], $0x10, s13, s10, $0xb8;
	[tilespmem:$0x8230] =	vst v63  }
0x48: {  	_ =	swait.ge [sflag:s8], $0x100  }
0x49: {  	[sflag:s8] =	ssyncset.done $0x0  }
0x4a: {  	[sflag:s8] =	ssyncadd.s32 $0xFFFFFF00  }
0x4b: {  	_ =	swait.ge [sflag:s15], $0x100  }
0x4c: {  	[sflag:s15] =	ssyncset.done $0x0  }
0x4d: {  	[sflag:s15] =	ssyncadd.s32 $0xFFFFFF00  }
0x4e: {  	v21 =	vld.idx.msk [tilespmem:v1+s14+$0x0], $0xffff  }
0x4f: {  	v22 =	vshll.u32 v24, $0x4;
	_ =	sdelay $0x3  }
0x50: {  	vm1 =	vmneg vm0;
	[tilespmem:v1+s12+$0x0] =	vst.idx.add.f32.msk vm0, v21  }
0x51: {  	v21 =	vld.idx.msk [tilespmem:v22+s12+$0x0], $0xffff;
	_ =	sdelay $0x4  }
0x52: {  	[tilespmem:v1+s12+$0x0] =	vst.idx.msk vm1, v21  }
0x53: {  	v21 =	vld.idx.msk [tilespmem:v5+s14+$0x0], $0xffff  }
0x54: {  	v23 =	vor.u32 $0x1, v22;
	_ =	sdelay $0x3  }
0x55: {  	[tilespmem:v5+s12+$0x0] =	vst.idx.add.f32.msk vm0, v21  }
0x56: {  	v21 =	vld.idx.msk [tilespmem:v23+s12+$0x0], $0xffff;
	_ =	sdelay $0x4  }
0x57: {  	[tilespmem:v5+s12+$0x0] =	vst.idx.msk vm1, v21  }
0x58: {  	v21 =	vld.idx.msk [tilespmem:v6+s14+$0x0], $0xffff  }
0x59: {  	v23 =	vor.u32 $0x2, v22;
	_ =	sdelay $0x3  }
0x5a: {  	[tilespmem:v6+s12+$0x0] =	vst.idx.add.f32.msk vm0, v21  }
0x5b: {  	v21 =	vld.idx.msk [tilespmem:v23+s12+$0x0], $0xffff;
	_ =	sdelay $0x4  }
0x5c: {  	[tilespmem:v6+s12+$0x0] =	vst.idx.msk vm1, v21  }
0x5d: {  	v21 =	vld.idx.msk [tilespmem:v7+s14+$0x0], $0xffff  }
0x5e: {  	v23 =	vor.u32 $0x3, v22;
	_ =	sdelay $0x3  }
0x5f: {  	[tilespmem:v7+s12+$0x0] =	vst.idx.add.f32.msk vm0, v21  }
0x60: {  	v21 =	vld.idx.msk [tilespmem:v23+s12+$0x0], $0xffff;
	_ =	sdelay $0x4  }
0x61: {  	[tilespmem:v7+s12+$0x0] =	vst.idx.msk vm1, v21  }
0x62: {  	v21 =	vld.idx.msk [tilespmem:v8+s14+$0x0], $0xffff  }
0x63: {  	v23 =	vor.u32 $0x4, v22;
	_ =	sdelay $0x3  }
0x64: {  	[tilespmem:v8+s12+$0x0] =	vst.idx.add.f32.msk vm0, v21  }
0x65: {  	v21 =	vld.idx.msk [tilespmem:v23+s12+$0x0], $0xffff;
	_ =	sdelay $0x4  }
0x66: {  	[tilespmem:v8+s12+$0x0] =	vst.idx.msk vm1, v21  }
0x67: {  	v21 =	vld.idx.msk [tilespmem:v9+s14+$0x0], $0xffff  }
0x68: {  	v23 =	vor.u32 $0x5, v22;
	_ =	sdelay $0x3  }
0x69: {  	[tilespmem:v9+s12+$0x0] =	vst.idx.add.f32.msk vm0, v21  }
0x6a: {  	v21 =	vld.idx.msk [tilespmem:v23+s12+$0x0], $0xffff;
	_ =	sdelay $0x4  }
0x6b: {  	[tilespmem:v9+s12+$0x0] =	vst.idx.msk vm1, v21  }
0x6c: {  	v21 =	vld.idx.msk [tilespmem:v10+s14+$0x0], $0xffff  }
0x6d: {  	v23 =	vor.u32 $0x6, v22;
	_ =	sdelay $0x3  }
0x6e: {  	[tilespmem:v10+s12+$0x0] =	vst.idx.add.f32.msk vm0, v21  }
0x6f: {  	v21 =	vld.idx.msk [tilespmem:v23+s12+$0x0], $0xffff;
	_ =	sdelay $0x4  }
0x70: {  	[tilespmem:v10+s12+$0x0] =	vst.idx.msk vm1, v21  }
0x71: {  	v21 =	vld.idx.msk [tilespmem:v11+s14+$0x0], $0xffff  }
0x72: {  	v23 =	vor.u32 $0x7, v22;
	_ =	sdelay $0x3  }
0x73: {  	[tilespmem:v11+s12+$0x0] =	vst.idx.add.f32.msk vm0, v21  }
0x74: {  	v21 =	vld.idx.msk [tilespmem:v23+s12+$0x0], $0xffff;
	_ =	sdelay $0x4  }
0x75: {  	[tilespmem:v11+s12+$0x0] =	vst.idx.msk vm1, v21  }
0x76: {  	v21 =	vld.idx.msk [tilespmem:v12+s14+$0x0], $0xffff  }
0x77: {  	v23 =	vor.u32 $0x8, v22;
	_ =	sdelay $0x3  }
0x78: {  	[tilespmem:v12+s12+$0x0] =	vst.idx.add.f32.msk vm0, v21  }
0x79: {  	v21 =	vld.idx.msk [tilespmem:v23+s12+$0x0], $0xffff;
	_ =	sdelay $0x4  }
0x7a: {  	[tilespmem:v12+s12+$0x0] =	vst.idx.msk vm1, v21  }
0x7b: {  	v21 =	vld.idx.msk [tilespmem:v13+s14+$0x0], $0xffff  }
0x7c: {  	v23 =	vor.u32 $0x9, v22;
	_ =	sdelay $0x3  }
0x7d: {  	[tilespmem:v13+s12+$0x0] =	vst.idx.add.f32.msk vm0, v21  }
0x7e: {  	v21 =	vld.idx.msk [tilespmem:v23+s12+$0x0], $0xffff;
	_ =	sdelay $0x4  }
0x7f: {  	[tilespmem:v13+s12+$0x0] =	vst.idx.msk vm1, v21  }
0x80: {  	v21 =	vld.idx.msk [tilespmem:v14+s14+$0x0], $0xffff  }
0x81: {  	v23 =	vor.u32 $0xA, v22;
	_ =	sdelay $0x3  }
0x82: {  	[tilespmem:v14+s12+$0x0] =	vst.idx.add.f32.msk vm0, v21  }
0x83: {  	v21 =	vld.idx.msk [tilespmem:v23+s12+$0x0], $0xffff;
	_ =	sdelay $0x4  }
0x84: {  	[tilespmem:v14+s12+$0x0] =	vst.idx.msk vm1, v21  }
0x85: {  	v21 =	vld.idx.msk [tilespmem:v15+s14+$0x0], $0xffff  }
0x86: {  	v23 =	vor.u32 $0xB, v22;
	_ =	sdelay $0x3  }
0x87: {  	[tilespmem:v15+s12+$0x0] =	vst.idx.add.f32.msk vm0, v21  }
0x88: {  	v21 =	vld.idx.msk [tilespmem:v23+s12+$0x0], $0xffff;
	_ =	sdelay $0x4  }
0x89: {  	[tilespmem:v15+s12+$0x0] =	vst.idx.msk vm1, v21  }
0x8a: {  	v21 =	vld.idx.msk [tilespmem:v16+s14+$0x0], $0xffff  }
0x8b: {  	v23 =	vor.u32 $0xC, v22;
	_ =	sdelay $0x3  }
0x8c: {  	[tilespmem:v16+s12+$0x0] =	vst.idx.add.f32.msk vm0, v21  }
0x8d: {  	v21 =	vld.idx.msk [tilespmem:v23+s12+$0x0], $0xffff;
	_ =	sdelay $0x4  }
0x8e: {  	[tilespmem:v16+s12+$0x0] =	vst.idx.msk vm1, v21  }
0x8f: {  	v21 =	vld.idx.msk [tilespmem:v17+s14+$0x0], $0xffff  }
0x90: {  	v23 =	vor.u32 $0xD, v22;
	_ =	sdelay $0x3  }
0x91: {  	[tilespmem:v17+s12+$0x0] =	vst.idx.add.f32.msk vm0, v21  }
0x92: {  	v21 =	vld.idx.msk [tilespmem:v23+s12+$0x0], $0xffff;
	_ =	sdelay $0x4  }
0x93: {  	[tilespmem:v17+s12+$0x0] =	vst.idx.msk vm1, v21  }
0x94: {  	v21 =	vld.idx.msk [tilespmem:v18+s14+$0x0], $0xffff  }
0x95: {  	v23 =	vor.u32 $0xE, v22;
	_ =	sdelay $0x3  }
0x96: {  	[tilespmem:v18+s12+$0x0] =	vst.idx.add.f32.msk vm0, v21  }
0x97: {  	v21 =	vld.idx.msk [tilespmem:v23+s12+$0x0], $0xffff;
	_ =	sdelay $0x4  }
0x98: {  	[tilespmem:v18+s12+$0x0] =	vst.idx.msk vm1, v21  }
0x99: {  	v21 =	vld.idx.msk [tilespmem:v19+s14+$0x0], $0xffff  }
0x9a: {  	v22 =	vor.u32 $0xF, v22;
	_ =	sdelay $0x3  }
0x9b: {  	[tilespmem:v19+s12+$0x0] =	vst.idx.add.f32.msk vm0, v21  }
0x9c: {  	v21 =	vld.idx.msk [tilespmem:v22+s12+$0x0], $0xffff;
	_ =	sdelay $0x4  }
0x9d: {  	[tilespmem:v19+s12+$0x0] =	vst.idx.msk vm1, v21  }
0x9e: {  	[hbm4b:s3+s10] =	stream.indirect.scatter [tilespmem:s12], [sflag:$0x1], $0x10, s11, s10, $0xb8;
	[tilespmem:$0x8230] =	vst v63  }
0x9f: {  	_ =	swait.ge [sflag:s8], $0x100  }
0xa0: {  	[sflag:s8] =	ssyncset.done $0x0  }
0xa1: {  	[sflag:s8] =	ssyncadd.s32 $0xFFFFFF00  }
.LBB2_10:
0xa2: {  	s18 =	sadd.s32 $0x1, s18  }
0xa3: {  	p0 =	sne.s32 s18, s17  }
.Ltmp5:
0xa4: {  	_ = 	snop;
	(pc) =	sbr.rel @!p0 .LBB2_11-.Ltmp5, $1  }
0xa5: {  	_ =	sdelay $0x3  }
.LBB2_5:
0xa6: {  	s19 =	sshll.u32 s18, $0x4  }
0xa7: {  	v21 =	vld [tilespmem:s19+$0x4000];
	_ =	sdelay $0x2  }
0xa8: {  	v22 =	vor.u32 s19, v0  }
0xa9: {  	vm1 =	vlt.s32 v22, v20  }
0xaa: {  	v22 =	vnsel vm1, $0x0, v21;
	_ =	sdelay $0x4  }
0xab: {  	v22 =	vld.idx.msk [tilespmem:v22+s6+$0x0], $0xffff;
	_ =	sdelay $0x4  }
0xac: {  	(xrf1) =	vunique.msk.u32 vm1, v22;
	_ =	sdelay $0xd  }
0xad: {  	_, v23, _ =	vpop (xrf1)  }
0xae: {  	v24 =	vxor.u32 $0x80000000, v23  }
0xaf: {  	v24 =	vnsel vm1, $0x80000000, v24  }
0xb0: {  	(xrf0) =	vmax.scan.msk.u32 $0xffff, v24;
	_ =	sdelay $0x5  }
0xb1: {  	v24, _, _ =	vpop (xrf0)  }
0xb2: {  	(v2sf) =	vpush v24, $0xF;
	_ =	sdelay $0xe  }
0xb3: {  	s19 =	spop (v2sf)  }
0xb4: {  	p0 =	sgt.s32 s19, $0xFFFFFFFE  }
.Ltmp6:
0xb5: {  	_ = 	snop;
	(pc) =	sbr.rel @p0 .LBB2_10-.Ltmp6, $2  }
0xb6: {  	_ =	sdelay $0x2  }
0xb7: {  	[tilespmem:$0x8000] =	vst v22  }
0xb8: {  	s20 =	simm.s32 $0x0  }
0xb9: {  	vm0 =	veq.s32 v23, s20  }
0xba: {  	vm0 =	vmand vm1, vm0  }
0xbb: {  	v24 =	vnsel vm0, $0x8000000F, v4  }
0xbc: {  	(xrf0) =	vmin.scan.msk.u32 $0xffff, v24;
	_ =	sdelay $0x5  }
0xbd: {  	v24, _, _ =	vpop (xrf0)  }
0xbe: {  	(v2sf) =	vpush v24, $0xF;
	_ =	sdelay $0x9  }
0xbf: {  	s19 =	sand.u32 $0x7FFFFFFF, s19  }
0xc0: {  	s19 =	sadd.s32 $0x1, s19  }
0xc1: {  	p1 =	sne.s32 s19, $0x1  }
.Ltmp7:
0xc2: {  	_ = 	snop;
	(pc) =	sbr.rel @!p1 .LBB2_9-.Ltmp7, $4  }
0xc3: {  	_ = 	snop  }
0xc4: {  	s31 =	spop (v2sf)  }
0xc5: {  	s21 =	sxor.u32 $0x80000000, s31  }
0xc6: {  	p0 =	por $0x0, $0x0;
	s20 =	simm.s32 $0x1;
	vm0 =	vmmov vm0;
	v24 =	vmov s21  }
0xc7: {  	_ =	sdelay $0x3  }
0xc8: {  	v25 =	vld.idx.msk [tilespmem:v24+s9+$0x0], $0xffff;
	_ =	sdelay $0x3  }
0xc9: {  	v26 =	vnsel vm0, $0x0, v21  }
0xca: {  	[tilespmem:$0x8020] =	vst v26;
	v25 =	vsel vm0, v22, v25  }
0xcb: {  	[tilespmem:$0x8010] =	vst v25  }
0xcc: {  	[tilespmem:s12], [sflag:$0x1] =	stream.indirect.gather [hbm4b:s3+s10], $0x10, s11, s10, $0xb8;
	[tilespmem:$0x8230] =	vst v63  }
0xcd: {  	_ = 	snop  }
0xce: {  	[tilespmem:s14], [sflag:$0x2] =	stream.indirect.gather [hbm4b:s4+s10], $0x10, s13, s10, $0xb8;
	[tilespmem:$0x8230] =	vst v63  }
0xcf: {  	_ =	swait.ge [sflag:s8], $0x100  }
0xd0: {  	[sflag:s8] =	ssyncset.done $0x0  }
0xd1: {  	[sflag:s8] =	ssyncadd.s32 $0xFFFFFF00  }
0xd2: {  	_ =	swait.ge [sflag:s15], $0x100  }
0xd3: {  	[sflag:s15] =	ssyncset.done $0x0  }
0xd4: {  	[sflag:s15] =	ssyncadd.s32 $0xFFFFFF00  }
0xd5: {  	v25 =	vld.idx.msk [tilespmem:v1+s14+$0x0], $0xffff  }
0xd6: {  	v24 =	vshll.u32 v24, $0x4;
	_ =	sdelay $0x3  }
0xd7: {  	vm2 =	vmneg vm0;
	[tilespmem:v1+s12+$0x0] =	vst.idx.add.f32.msk vm0, v25  }
0xd8: {  	v25 =	vld.idx.msk [tilespmem:v24+s12+$0x0], $0xffff;
	_ =	sdelay $0x4  }
0xd9: {  	[tilespmem:v1+s12+$0x0] =	vst.idx.msk vm2, v25  }
0xda: {  	v25 =	vld.idx.msk [tilespmem:v5+s14+$0x0], $0xffff  }
0xdb: {  	v26 =	vor.u32 $0x1, v24;
	_ =	sdelay $0x3  }
0xdc: {  	[tilespmem:v5+s12+$0x0] =	vst.idx.add.f32.msk vm0, v25  }
0xdd: {  	v25 =	vld.idx.msk [tilespmem:v26+s12+$0x0], $0xffff;
	_ =	sdelay $0x4  }
0xde: {  	[tilespmem:v5+s12+$0x0] =	vst.idx.msk vm2, v25  }
0xdf: {  	v25 =	vld.idx.msk [tilespmem:v6+s14+$0x0], $0xffff  }
0xe0: {  	v26 =	vor.u32 $0x2, v24;
	_ =	sdelay $0x3  }
0xe1: {  	[tilespmem:v6+s12+$0x0] =	vst.idx.add.f32.msk vm0, v25  }
0xe2: {  	v25 =	vld.idx.msk [tilespmem:v26+s12+$0x0], $0xffff;
	_ =	sdelay $0x4  }
0xe3: {  	[tilespmem:v6+s12+$0x0] =	vst.idx.msk vm2, v25  }
0xe4: {  	v25 =	vld.idx.msk [tilespmem:v7+s14+$0x0], $0xffff  }
0xe5: {  	v26 =	vor.u32 $0x3, v24;
	_ =	sdelay $0x3  }
0xe6: {  	[tilespmem:v7+s12+$0x0] =	vst.idx.add.f32.msk vm0, v25  }
0xe7: {  	v25 =	vld.idx.msk [tilespmem:v26+s12+$0x0], $0xffff;
	_ =	sdelay $0x4  }
0xe8: {  	[tilespmem:v7+s12+$0x0] =	vst.idx.msk vm2, v25  }
0xe9: {  	v25 =	vld.idx.msk [tilespmem:v8+s14+$0x0], $0xffff  }
0xea: {  	v26 =	vor.u32 $0x4, v24;
	_ =	sdelay $0x3  }
0xeb: {  	[tilespmem:v8+s12+$0x0] =	vst.idx.add.f32.msk vm0, v25  }
0xec: {  	v25 =	vld.idx.msk [tilespmem:v26+s12+$0x0], $0xffff;
	_ =	sdelay $0x4  }
0xed: {  	[tilespmem:v8+s12+$0x0] =	vst.idx.msk vm2, v25  }
0xee: {  	v25 =	vld.idx.msk [tilespmem:v9+s14+$0x0], $0xffff  }
0xef: {  	v26 =	vor.u32 $0x5, v24;
	_ =	sdelay $0x3  }
0xf0: {  	[tilespmem:v9+s12+$0x0] =	vst.idx.add.f32.msk vm0, v25  }
0xf1: {  	v25 =	vld.idx.msk [tilespmem:v26+s12+$0x0], $0xffff;
	_ =	sdelay $0x4  }
0xf2: {  	[tilespmem:v9+s12+$0x0] =	vst.idx.msk vm2, v25  }
0xf3: {  	v25 =	vld.idx.msk [tilespmem:v10+s14+$0x0], $0xffff  }
0xf4: {  	v26 =	vor.u32 $0x6, v24;
	_ =	sdelay $0x3  }
0xf5: {  	[tilespmem:v10+s12+$0x0] =	vst.idx.add.f32.msk vm0, v25  }
0xf6: {  	v25 =	vld.idx.msk [tilespmem:v26+s12+$0x0], $0xffff;
	_ =	sdelay $0x4  }
0xf7: {  	[tilespmem:v10+s12+$0x0] =	vst.idx.msk vm2, v25  }
0xf8: {  	v25 =	vld.idx.msk [tilespmem:v11+s14+$0x0], $0xffff  }
0xf9: {  	v26 =	vor.u32 $0x7, v24;
	_ =	sdelay $0x3  }
0xfa: {  	[tilespmem:v11+s12+$0x0] =	vst.idx.add.f32.msk vm0, v25  }
0xfb: {  	v25 =	vld.idx.msk [tilespmem:v26+s12+$0x0], $0xffff;
	_ =	sdelay $0x4  }
0xfc: {  	[tilespmem:v11+s12+$0x0] =	vst.idx.msk vm2, v25  }
0xfd: {  	v25 =	vld.idx.msk [tilespmem:v12+s14+$0x0], $0xffff  }
0xfe: {  	v26 =	vor.u32 $0x8, v24;
	_ =	sdelay $0x3  }
0xff: {  	[tilespmem:v12+s12+$0x0] =	vst.idx.add.f32.msk vm0, v25  }
0x100: {  	v25 =	vld.idx.msk [tilespmem:v26+s12+$0x0], $0xffff;
	_ =	sdelay $0x4  }
0x101: {  	[tilespmem:v12+s12+$0x0] =	vst.idx.msk vm2, v25  }
0x102: {  	v25 =	vld.idx.msk [tilespmem:v13+s14+$0x0], $0xffff  }
0x103: {  	v26 =	vor.u32 $0x9, v24;
	_ =	sdelay $0x3  }
0x104: {  	[tilespmem:v13+s12+$0x0] =	vst.idx.add.f32.msk vm0, v25  }
0x105: {  	v25 =	vld.idx.msk [tilespmem:v26+s12+$0x0], $0xffff;
	_ =	sdelay $0x4  }
0x106: {  	[tilespmem:v13+s12+$0x0] =	vst.idx.msk vm2, v25  }
0x107: {  	v25 =	vld.idx.msk [tilespmem:v14+s14+$0x0], $0xffff  }
0x108: {  	v26 =	vor.u32 $0xA, v24;
	_ =	sdelay $0x3  }
0x109: {  	[tilespmem:v14+s12+$0x0] =	vst.idx.add.f32.msk vm0, v25  }
0x10a: {  	v25 =	vld.idx.msk [tilespmem:v26+s12+$0x0], $0xffff;
	_ =	sdelay $0x4  }
0x10b: {  	[tilespmem:v14+s12+$0x0] =	vst.idx.msk vm2, v25  }
0x10c: {  	v25 =	vld.idx.msk [tilespmem:v15+s14+$0x0], $0xffff  }
0x10d: {  	v26 =	vor.u32 $0xB, v24;
	_ =	sdelay $0x3  }
0x10e: {  	[tilespmem:v15+s12+$0x0] =	vst.idx.add.f32.msk vm0, v25  }
0x10f: {  	v25 =	vld.idx.msk [tilespmem:v26+s12+$0x0], $0xffff;
	_ =	sdelay $0x4  }
0x110: {  	[tilespmem:v15+s12+$0x0] =	vst.idx.msk vm2, v25  }
0x111: {  	v25 =	vld.idx.msk [tilespmem:v16+s14+$0x0], $0xffff  }
0x112: {  	v26 =	vor.u32 $0xC, v24;
	_ =	sdelay $0x3  }
0x113: {  	[tilespmem:v16+s12+$0x0] =	vst.idx.add.f32.msk vm0, v25  }
0x114: {  	v25 =	vld.idx.msk [tilespmem:v26+s12+$0x0], $0xffff;
	_ =	sdelay $0x4  }
0x115: {  	[tilespmem:v16+s12+$0x0] =	vst.idx.msk vm2, v25  }
0x116: {  	v25 =	vld.idx.msk [tilespmem:v17+s14+$0x0], $0xffff  }
0x117: {  	v26 =	vor.u32 $0xD, v24;
	_ =	sdelay $0x3  }
0x118: {  	[tilespmem:v17+s12+$0x0] =	vst.idx.add.f32.msk vm0, v25  }
0x119: {  	v25 =	vld.idx.msk [tilespmem:v26+s12+$0x0], $0xffff;
	_ =	sdelay $0x1  }
0x11a: {  	vm3 =	veq.s32 v23, s20  }
0x11b: {  	vm3 =	vmand vm1, vm3  }
0x11c: {  	v26 =	vnsel vm3, $0x8000000F, v4  }
0x11d: {  	(xrf0) =	vmin.scan.msk.u32 $0xffff, v26;
	[tilespmem:v17+s12+$0x0] =	vst.idx.msk vm2, v25  }
0x11e: {  	v25 =	vld.idx.msk [tilespmem:v18+s14+$0x0], $0xffff  }
0x11f: {  	v27 =	vor.u32 $0xE, v24;
	_ =	sdelay $0x3  }
0x120: {  	v26, _, _ =	vpop (xrf0);
	[tilespmem:v18+s12+$0x0] =	vst.idx.add.f32.msk vm0, v25  }
0x121: {  	(v2sf) =	vpush v26, $0xF;
	v25 =	vld.idx.msk [tilespmem:v27+s12+$0x0], $0xffff;
	_ =	sdelay $0x4  }
0x122: {  	[tilespmem:v18+s12+$0x0] =	vst.idx.msk vm2, v25  }
0x123: {  	v25 =	vld.idx.msk [tilespmem:v19+s14+$0x0], $0xffff  }
0x124: {  	v24 =	vor.u32 $0xF, v24;
	_ =	sdelay $0x3  }
0x125: {  	[tilespmem:v19+s12+$0x0] =	vst.idx.add.f32.msk vm0, v25  }
0x126: {  	v24 =	vld.idx.msk [tilespmem:v24+s12+$0x0], $0xffff;
	_ =	sdelay $0x2  }
0x127: {  	p1 =	sne.s32 s19, $0x2;
	s31 =	spop (v2sf)  }
.Ltmp8:
0x128: {  	s21 =	sxor.u32 $0x80000000, s31;
	(pc) =	sbr.rel @!p1 .LBB2_9-.Ltmp8, $4  }
0x129: {  	[tilespmem:v19+s12+$0x0] =	vst.idx.msk vm2, v24;
	v24 =	vmov s21  }
0x12a: {  	[hbm4b:s3+s10] =	stream.indirect.scatter [tilespmem:s12], [sflag:$0x1], $0x10, s11, s10, $0xb8;
	[tilespmem:$0x8230] =	vst v63  }
0x12b: {  	_ =	swait.ge [sflag:s8], $0x100  }
0x12c: {  	s20 =	simm.s32 $0x2;
	p0 =	por $0x1, $0x1;
	vm0 =	vmmov vm3;
	[sflag:s8] =	ssyncset.done $0x0  }
.LBB2_8:
0x12d: {  	[sflag:s8] =	ssyncadd.s32 $0xFFFFFF00;
	s21 =	smov.u32 s20;
	s20 =	sadd.s32 $0x1, s20  }
0x12e: {  	p1 =	sne.s32 s19, s20;
	v25 =	vld.idx.msk [tilespmem:v24+s9+$0x0], $0xffff;
	_ =	sdelay $0x4  }
0x12f: {  	v26 =	vnsel vm0, $0x0, v21  }
0x130: {  	v25 =	vsel vm0, v22, v25;
	[tilespmem:$0x8020] =	vst v26  }
0x131: {  	[tilespmem:$0x8010] =	vst v25  }
0x132: {  	[tilespmem:s12], [sflag:$0x1] =	stream.indirect.gather [hbm4b:s3+s10], $0x10, s11, s10, $0xb8;
	[tilespmem:$0x8230] =	vst v63  }
0x133: {  	_ = 	snop  }
0x134: {  	[tilespmem:s14], [sflag:$0x2] =	stream.indirect.gather [hbm4b:s4+s10], $0x10, s13, s10, $0xb8;
	[tilespmem:$0x8230] =	vst v63  }
0x135: {  	_ =	swait.ge [sflag:s8], $0x100  }
0x136: {  	[sflag:s8] =	ssyncset.done $0x0  }
0x137: {  	[sflag:s8] =	ssyncadd.s32 $0xFFFFFF00  }
0x138: {  	_ =	swait.ge [sflag:s15], $0x100  }
0x139: {  	[sflag:s15] =	ssyncset.done $0x0  }
0x13a: {  	[sflag:s15] =	ssyncadd.s32 $0xFFFFFF00  }
0x13b: {  	v25 =	vld.idx.msk [tilespmem:v1+s14+$0x0], $0xffff;
	_ =	sdelay $0x1  }
0x13c: {  	v24 =	vshll.u32 v24, $0x4;
	_ =	sdelay $0x3  }
0x13d: {  	[tilespmem:v1+s12+$0x0] =	vst.idx.add.f32.msk vm0, v25  }
0x13e: {  	vm2 =	vmneg vm0;
	v25 =	vld.idx.msk [tilespmem:v24+s12+$0x0], $0xffff;
	_ =	sdelay $0x5  }
0x13f: {  	[tilespmem:v1+s12+$0x0] =	vst.idx.msk vm2, v25  }
0x140: {  	v25 =	vld.idx.msk [tilespmem:v5+s14+$0x0], $0xffff;
	_ =	sdelay $0x1  }
0x141: {  	v26 =	vor.u32 $0x1, v24;
	_ =	sdelay $0x3  }
0x142: {  	[tilespmem:v5+s12+$0x0] =	vst.idx.add.f32.msk vm0, v25  }
0x143: {  	v25 =	vld.idx.msk [tilespmem:v26+s12+$0x0], $0xffff;
	_ =	sdelay $0x5  }
0x144: {  	[tilespmem:v5+s12+$0x0] =	vst.idx.msk vm2, v25  }
0x145: {  	v25 =	vld.idx.msk [tilespmem:v6+s14+$0x0], $0xffff;
	_ =	sdelay $0x1  }
0x146: {  	v26 =	vor.u32 $0x2, v24;
	_ =	sdelay $0x3  }
0x147: {  	[tilespmem:v6+s12+$0x0] =	vst.idx.add.f32.msk vm0, v25  }
0x148: {  	v25 =	vld.idx.msk [tilespmem:v26+s12+$0x0], $0xffff;
	_ =	sdelay $0x5  }
0x149: {  	[tilespmem:v6+s12+$0x0] =	vst.idx.msk vm2, v25  }
0x14a: {  	v25 =	vld.idx.msk [tilespmem:v7+s14+$0x0], $0xffff;
	_ =	sdelay $0x1  }
0x14b: {  	v26 =	vor.u32 $0x3, v24;
	_ =	sdelay $0x3  }
0x14c: {  	[tilespmem:v7+s12+$0x0] =	vst.idx.add.f32.msk vm0, v25  }
0x14d: {  	v25 =	vld.idx.msk [tilespmem:v26+s12+$0x0], $0xffff;
	_ =	sdelay $0x5  }
0x14e: {  	[tilespmem:v7+s12+$0x0] =	vst.idx.msk vm2, v25  }
0x14f: {  	v25 =	vld.idx.msk [tilespmem:v8+s14+$0x0], $0xffff;
	_ =	sdelay $0x1  }
0x150: {  	v26 =	vor.u32 $0x4, v24;
	_ =	sdelay $0x3  }
0x151: {  	[tilespmem:v8+s12+$0x0] =	vst.idx.add.f32.msk vm0, v25  }
0x152: {  	v25 =	vld.idx.msk [tilespmem:v26+s12+$0x0], $0xffff;
	_ =	sdelay $0x5  }
0x153: {  	[tilespmem:v8+s12+$0x0] =	vst.idx.msk vm2, v25  }
0x154: {  	v25 =	vld.idx.msk [tilespmem:v9+s14+$0x0], $0xffff;
	_ =	sdelay $0x1  }
0x155: {  	v26 =	vor.u32 $0x5, v24;
	_ =	sdelay $0x3  }
0x156: {  	[tilespmem:v9+s12+$0x0] =	vst.idx.add.f32.msk vm0, v25  }
0x157: {  	v25 =	vld.idx.msk [tilespmem:v26+s12+$0x0], $0xffff;
	_ =	sdelay $0x5  }
0x158: {  	[tilespmem:v9+s12+$0x0] =	vst.idx.msk vm2, v25  }
0x159: {  	v25 =	vld.idx.msk [tilespmem:v10+s14+$0x0], $0xffff;
	_ =	sdelay $0x1  }
0x15a: {  	v26 =	vor.u32 $0x6, v24;
	_ =	sdelay $0x3  }
0x15b: {  	[tilespmem:v10+s12+$0x0] =	vst.idx.add.f32.msk vm0, v25  }
0x15c: {  	v25 =	vld.idx.msk [tilespmem:v26+s12+$0x0], $0xffff;
	_ =	sdelay $0x5  }
0x15d: {  	[tilespmem:v10+s12+$0x0] =	vst.idx.msk vm2, v25  }
0x15e: {  	v25 =	vld.idx.msk [tilespmem:v11+s14+$0x0], $0xffff;
	_ =	sdelay $0x1  }
0x15f: {  	v26 =	vor.u32 $0x7, v24;
	_ =	sdelay $0x3  }
0x160: {  	[tilespmem:v11+s12+$0x0] =	vst.idx.add.f32.msk vm0, v25  }
0x161: {  	v25 =	vld.idx.msk [tilespmem:v26+s12+$0x0], $0xffff;
	_ =	sdelay $0x5  }
0x162: {  	[tilespmem:v11+s12+$0x0] =	vst.idx.msk vm2, v25  }
0x163: {  	v25 =	vld.idx.msk [tilespmem:v12+s14+$0x0], $0xffff;
	_ =	sdelay $0x1  }
0x164: {  	v26 =	vor.u32 $0x8, v24;
	_ =	sdelay $0x3  }
0x165: {  	[tilespmem:v12+s12+$0x0] =	vst.idx.add.f32.msk vm0, v25  }
0x166: {  	v25 =	vld.idx.msk [tilespmem:v26+s12+$0x0], $0xffff;
	_ =	sdelay $0x5  }
0x167: {  	[tilespmem:v12+s12+$0x0] =	vst.idx.msk vm2, v25  }
0x168: {  	v25 =	vld.idx.msk [tilespmem:v13+s14+$0x0], $0xffff;
	_ =	sdelay $0x1  }
0x169: {  	v26 =	vor.u32 $0x9, v24;
	_ =	sdelay $0x3  }
0x16a: {  	[tilespmem:v13+s12+$0x0] =	vst.idx.add.f32.msk vm0, v25  }
0x16b: {  	v25 =	vld.idx.msk [tilespmem:v26+s12+$0x0], $0xffff;
	_ =	sdelay $0x5  }
0x16c: {  	[tilespmem:v13+s12+$0x0] =	vst.idx.msk vm2, v25  }
0x16d: {  	v25 =	vld.idx.msk [tilespmem:v14+s14+$0x0], $0xffff;
	_ =	sdelay $0x1  }
0x16e: {  	v26 =	vor.u32 $0xA, v24;
	_ =	sdelay $0x3  }
0x16f: {  	[tilespmem:v14+s12+$0x0] =	vst.idx.add.f32.msk vm0, v25  }
0x170: {  	v25 =	vld.idx.msk [tilespmem:v26+s12+$0x0], $0xffff;
	_ =	sdelay $0x5  }
0x171: {  	[tilespmem:v14+s12+$0x0] =	vst.idx.msk vm2, v25  }
0x172: {  	v25 =	vld.idx.msk [tilespmem:v15+s14+$0x0], $0xffff;
	_ =	sdelay $0x1  }
0x173: {  	v26 =	vor.u32 $0xB, v24;
	_ =	sdelay $0x3  }
0x174: {  	[tilespmem:v15+s12+$0x0] =	vst.idx.add.f32.msk vm0, v25  }
0x175: {  	v25 =	vld.idx.msk [tilespmem:v26+s12+$0x0], $0xffff;
	_ =	sdelay $0x5  }
0x176: {  	[tilespmem:v15+s12+$0x0] =	vst.idx.msk vm2, v25  }
0x177: {  	v25 =	vld.idx.msk [tilespmem:v16+s14+$0x0], $0xffff;
	_ =	sdelay $0x1  }
0x178: {  	v26 =	vor.u32 $0xC, v24;
	_ =	sdelay $0x3  }
0x179: {  	[tilespmem:v16+s12+$0x0] =	vst.idx.add.f32.msk vm0, v25  }
0x17a: {  	v25 =	vld.idx.msk [tilespmem:v26+s12+$0x0], $0xffff;
	_ =	sdelay $0x5  }
0x17b: {  	[tilespmem:v16+s12+$0x0] =	vst.idx.msk vm2, v25  }
0x17c: {  	v25 =	vld.idx.msk [tilespmem:v17+s14+$0x0], $0xffff;
	_ =	sdelay $0x1  }
0x17d: {  	v26 =	vor.u32 $0xD, v24;
	_ =	sdelay $0x3  }
0x17e: {  	[tilespmem:v17+s12+$0x0] =	vst.idx.add.f32.msk vm0, v25  }
0x17f: {  	v25 =	vld.idx.msk [tilespmem:v26+s12+$0x0], $0xffff;
	_ =	sdelay $0x5  }
0x180: {  	[tilespmem:v17+s12+$0x0] =	vst.idx.msk vm2, v25  }
0x181: {  	vm3 =	veq.s32 v23, s21;
	v25 =	vld.idx.msk [tilespmem:v18+s14+$0x0], $0xffff  }
0x182: {  	vm3 =	vmand vm1, vm3  }
0x183: {  	v27 =	vor.u32 $0xE, v24;
	v26 =	vnsel vm3, $0x8000000F, v4  }
0x184: {  	(xrf0) =	vmin.scan.msk.u32 $0xffff, v26;
	_ =	sdelay $0x2  }
0x185: {  	[tilespmem:v18+s12+$0x0] =	vst.idx.add.f32.msk vm0, v25  }
0x186: {  	v25 =	vld.idx.msk [tilespmem:v27+s12+$0x0], $0xffff;
	_ =	sdelay $0x1  }
0x187: {  	v26, _, _ =	vpop (xrf0)  }
0x188: {  	(v2sf) =	vpush v26, $0xF;
	_ =	sdelay $0x2  }
0x189: {  	[tilespmem:v18+s12+$0x0] =	vst.idx.msk vm2, v25  }
0x18a: {  	v25 =	vld.idx.msk [tilespmem:v19+s14+$0x0], $0xffff;
	_ =	sdelay $0x1  }
0x18b: {  	v24 =	vor.u32 $0xF, v24;
	_ =	sdelay $0x3  }
0x18c: {  	[tilespmem:v19+s12+$0x0] =	vst.idx.add.f32.msk vm0, v25;
	vm0 =	vmmov vm3  }
0x18d: {  	v25 =	vld.idx.msk [tilespmem:v24+s12+$0x0], $0xffff;
	_ =	sdelay $0x3  }
0x18e: {  	s21 =	spop (v2sf)  }
.Ltmp9:
0x18f: {  	s21 =	sxor.u32 $0x80000000, s21;
	(pc) =	sbr.rel @p1 .LBB2_8-.Ltmp9, $4  }
0x190: {  	v24 =	vmov s21;
	[tilespmem:v19+s12+$0x0] =	vst.idx.msk vm2, v25  }
0x191: {  	[hbm4b:s3+s10] =	stream.indirect.scatter [tilespmem:s12], [sflag:$0x1], $0x10, s11, s10, $0xb8;
	[tilespmem:$0x8230] =	vst v63  }
0x192: {  	_ =	swait.ge [sflag:s8], $0x100  }
0x193: {  	[sflag:s8] =	ssyncset.done $0x0  }
.Ltmp10:
0x194: {  	_ = 	snop;
	(pc) =	sbr.rel .LBB2_9-.Ltmp10, $1  }
0x195: {  	_ =	sdelay $0x3  }
.LBB2_12:
0x196: {  	_ =	sfence.sel $0x180000  }
0x197: {  	[bflag:$0x0] =	sbarrier.arrive $0xFFFF  }
0x198: {  	p0 =	sne.s32 s0, $0x0;
	_ =	strace $0x90000047  }
0x199: {  	s0 =	sadd.s32 @!p0 $0x100000, s2;
	[bflag:$0x2] =	sbarrier.arrive $0xFFFF  }
0x19a: {  	[sflag:s0] =	ssyncadd.tile.s32 @!p0 $0x1;
	_ =	shalt  }
.Lfunc_end2:
_tile_overlayer_lowered:
.L_overlay_start_2:
0x19b: {  	(tag) =	ssettag $0x2  }
0x19c: {  	s0 =	rddreg [dreg:$0x0];
	s2 =	stileid.u32  }
0x19d: {  	s1 =	rddreg [dreg:$0x1];
	p0 =	sne.s32 s2, $0x0  }
0x19e: {  	s3 =	rddreg [dreg:$0x2];
	[bflag:$0x3] =	sbarrier.arrive $0xFFFF;
	s2 =	simm.s32 @!p0 $0x1C03  }
0x19f: {  	[timem:s3], [sflag:s2] =	dma.local @!p0 [hbm:s0], s1  }
0x1a0: {  	s0 =	simm.s32 @!p0 $0x3  }
0x1a1: {  	_ =	swait.ge @!p0 [sflag:s0], s1  }
0x1a2: {  	s1 =	ssub.s32 @!p0 $0x0, s1;
	[sflag:s0] =	ssyncset.done @!p0 $0x0  }
0x1a3: {  	[sflag:s0] =	ssyncadd.s32 @!p0 s1  }
0x1a4: {  	[bflag:$0x3] =	sbarrier.arrive $0xFFFF  }
0x1a5: {  	_ =	shalt  }

// kernel: sparse-core-data-format-call.cloned.1.call-start
scs
called_computation_lowered:
.L_overlay_start_0:
0x0: {  	s2 =	sld [smem:$0x3FD9]  }
0x1: {  	s3 =	sld [smem:$0x3FFE];
	_ =	sdelay $0x1  }
0x2: {  	s1 =	srdreg.scid  }
0x3: {  	s0 =	sand.u32 $0x1, s1  }
0x4: {  	s18 =	sshll.u32 s0, $0xA;
	s2 =	sadd.s32 s3, s2  }
0x5: {  	s2 =	sadd.s32 s2, s18  }
0x6: {  	[smem:$0x3FC5] =	sst s2  }
0x7: {  	_ = 	snop  }
0x8: {  	s2 =	sld [smem:$0x3FD0];
	(tm) =	ssettm $0x1  }
0x9: {  	s19 =	sld [smem:$0x3FFB];
	_ =	sdelay $0x3  }
0xa: {  	_ =	strace s19  }
0xb: {  	s3 =	sld [smem:$0x3FFC];
	_ =	sdelay $0x3  }
0xc: {  	_ =	strace s3  }
0xd: {  	s3 =	sld [smem:$0x3FFD];
	_ =	sdelay $0x3  }
0xe: {  	_ =	strace s3  }
0xf: {  	_ =	strace $0x8FFFFFFF  }
0x10: {  	s20 =	sld [smem:$0x3FDB];
	_ =	sdelay $0x1  }
0x11: {  	s4 =	simm.s32 $_scs_section_size  }
0x12: {  	s5 =	simm.s32 $_size__tile_overlayer_lowered;
	s6 =	simm.s32 $_tile_overlayer_lowered  }
0x13: {  	s23 =	simm.s32 $0x1BFF;
	s22 =	sshll.u32 s6, $0x1;
	s3 =	sadd.s32 s4, s20  }
0x14: {  	s7 =	simm.s32 $0x0;
	s21 =	sshll.u32 s5, $0x1;
	s5 =	sadd.s32 s22, s3  }
0x15: {  	[timem:s7], [sflag:s23] =	dma.local [hbm:s5], s21  }
0x16: {  	_ =	swait.ge [sflag:s23], s21  }
0x17: {  	s4 =	ssub.s32 $0x0, s21;
	[sflag:s23] =	ssyncset.done $0x0  }
0x18: {  	[sflag:s23] =	ssyncadd.s32 s4;
	_ =	sdelay $0x1  }
0x19: {  	s24 =	simm.s32 $0x1B8B  }
0x1a: {  	_ =	swait.ge [sflag:s24], $0x1  }
0x1b: {  	[sflag:s24] =	ssyncset.done $0x0  }
0x1c: {  	s26 =	simm.s32 $0x1B8E;
	s25 =	sld [smem:$0x3FFE];
	[sflag:s24] =	ssyncadd.s32 $0xFFFFFFFF  }
0x1d: {  	s27 =	simm.s32 $execute0_lowered;
	[smem:$0x3FD2] =	sst s26  }
0x1e: {  	s5 =	sshll.u32 s27, $0x1;
	_ =	strace $0x80000049;
	[dreg:$0x1] =	wrdreg $0xFFFFFFFF  }
0x1f: {  	s28 =	simm.s32 $_size_execute0_lowered;
	s3 =	sadd.s32 s3, s5;
	[dreg:$0x0] =	wrdreg $0x0  }
0x20: {  	s5 =	sshll.u32 s28, $0x1;
	[dreg:$0x2] =	wrdreg s3  }
0x21: {  	[dreg:$0x3] =	wrdreg s5  }
0x22: {  	[dreg:$0x4] =	wrdreg $0xC0  }
0x23: {  	_ =	task [dreg:s7], $0x5FFFF  }
0x24: {  	[dreg:$0x1] =	wrdreg $0xFFFFFFFF  }
0x25: {  	[dreg:$0x0] =	wrdreg $0x60  }
0x26: {  	[dreg:$0x2] =	wrdreg s25  }
0x27: {  	[dreg:$0x3] =	wrdreg s2  }
0x28: {  	[dreg:$0x4] =	wrdreg $0x9  }
0x29: {  	_ =	task.clear_ibuf [dreg:s7], $0x5FFFF;
	_ =	strace $0x90000049  }
0x2a: {  	s29 =	simm.s32 $0x9;
	_ =	strace $0x8000004B  }
0x2b: {  	_ =	swait.ge [sflag:s29], $0x1  }
0x2c: {  	[sflag:s29] =	ssyncadd.s32 $0xFFFFFFFF  }
0x2d: {  	_ =	strace $0x9000004B  }
0x2e: {  	_ =	sfence  }
0x2f: {  	s30 =	sld [smem:$0x0];
	_ =	sdelay $0x2  }
0x30: {  	s31 =	sshll.u32 s1, $0xD;
	s1 =	sshrl.u32 s1, $0x2  }
0x31: {  	s3 =	sand.u32 $0x4000, s31;
	s1 =	sadd.s32 s1, s30  }
0x32: {  	s0 =	sor.u32 s3, s0;
	s1 =	sshll.u32 s1, $0x11  }
0x33: {  	s0 =	sor.u32 s1, s0  }
0x34: {  	s0 =	sadd.s32 $0x8F2B, s0  }
0x35: {  	[sflag:s0] =	ssyncadd.remote.s32 $0x1  }
0x36: {  	_ =	sfence.sel $0xFFFF  }
0x37: {  	[dreg:$0x0] =	wrdreg $0xFFFFFFFF;
	(pc) =	sbr.abs _section_cstart, $3  }
0x38: {  	[dreg:$0x1] =	wrdreg $0xFFFFFFFF  }
0x39: {  	_ =	task.clear_ibuf [dreg:s7], $0x2FFFF;
	_ =	strace $0x9FFFFFFF  }
0x3a: {  	(tm) =	ssettm $0x7FFFFFFF  }
0x3b: {  	_ =	shalt  }
tec
execute0_lowered:
.L_overlay_start_1:
0x0: {  	(tag) =	ssettag $0x1  }
0x1: {  	s4 =	rddreg [dreg:$0x0]  }
0x2: {  	s0 =	srdreg.scid;
	s2 =	rddreg [dreg:$0x1]  }
0x3: {  	s1 =	stileid.u32;
	s5 =	simm.s32 $0x1;
	s0 =	sshll.u32 s0, $0x4  }
0x4: {  	s7 =	simm.s32 $0x2;
	s11 =	simm.s32 $0x0;
	s3 =	sand.u32 $0x10, s0  }
.Ltmp0:
0x5: {  	p0 =	por $0x0, $0x0;
	s3 =	sor.u32 s1, s3;
	(pc) =	sbr.rel .LBB1_1-.Ltmp0, $4  }
0x6: {  	s8 =	simm.s32 $0x7A1400;
	s10 =	simm.s32 $0x0;
	s3 =	sshll.u32 s3, $0x7  }
0x7: {  	s0 =	rddreg [dreg:$0x2];
	_ =	strace $0x8000004A;
	s6 =	ssub.s32 $0xF4200, s3  }
0x8: {  	s4 =	sadd.s32 $0xA00, s4;
	[sflag:s5] =	ssyncpa.u1 $0x0;
	s6 =	sshrl.u32 s6, $0xC  }
0x9: {  	[sflag:s7] =	ssyncpa.u1 $0x0;
	s9 =	smov.u32 s3;
	s7 =	sadd.s32 $0x2, s6  }
.LBB1_5:
0xa: {  	s13 =	sadd.s32 $0x1000, s9  }
0xb: {  	p2 =	sgt.s32 s13, $0xF423F  }
0xc: {  	s13 =	smov.u32 @p2 s3;
	p2 =	sne.s32 s10, s7  }
.Ltmp1:
0xd: {  	p1 =	slt.u32 s10, $0x2;
	(pc) =	sbr.rel @!p2 .LBB1_6-.Ltmp1, $4  }
0xe: {  	s12 =	simm.s32 @!p1 $0x2  }
0xf: {  	s14 =	sadd.s32 $0x1, s10;
	_ =	swait.ge @!p1 [sflag:s12], $0x800  }
0x10: {  	s11 =	smov.u32 s9;
	p0 =	por !p0, !p0;
	[sflag:s12] =	ssyncset.done @!p1 $0x0  }
0x11: {  	s10 =	smov.u32 s14;
	s9 =	smov.u32 s13;
	[sflag:s12] =	ssyncadd.s32 @!p1 $0xFFFFF800  }
.LBB1_1:
0x12: {  	p1 =	sgt.u32 s10, s6  }
0x13: {  	s13 =	smov.u32 s9;
	p2 =	sgt.s32 @!p1 s9, $0xF41C0  }
0x14: {  	s12 =	sand.u32 @!p1 $0x1FFFFFF, s9;
	s14 =	sshra.s32 @!p1 s9, $0x1F;
	p2 =	por !p2, p1  }
0x15: {  	s15 =	smulhi.u32 @!p1 $0x218DEF5, s12;
	s14 =	sand.u32 @!p1 s14, s9;
	s13 =	simm.s32 @p2 $0xF41C0  }
0x16: {  	s13 =	ssub.s32 @!p1 s13, s14  }
0x17: {  	s14 =	sshrl.u32 @!p1 s15, $0xD;
	s13 =	sadd.s32 @!p1 $0xFFF0BE40, s13  }
0x18: {  	s15 =	sxor.u32 @!p1 $0xFFFFFFFF, s10;
	s14 =	smul.u32 @!p1 $0xF4240, s14;
	s16 =	sshll.u32 @!p1 s13, $0x6  }
0x19: {  	s15 =	sshll.u32 @!p1 s15, $0xB;
	p2 =	sgt.s32 @!p1 s13, $0x7F;
	s13 =	ssub.s32 @!p1 $0x2000, s16  }
0x1a: {  	s12 =	ssub.s32 @!p1 s12, s14;
	p2 =	por !p2, p1;
	s14 =	sand.u32 @!p1 $0x800, s15  }
0x1b: {  	s15 =	simm.s32 @!p1 $0x10;
	s13 =	sshrl.u32 @!p1 s13, $0x2;
	s12 =	sshll.u32 @!p1 s12, $0x4  }
0x1c: {  	s16 =	simm.s32 @!p1 $0x80;
	s13 =	simm.s32 @!p2 $0x0;
	s12 =	sadd.s32 @!p1 s4, s12  }
0x1d: {  	[tilespmem:s14], [sflag:$0x1] =	stream.strided.gather @!p1 [hbm4b:s12+s15], s13, s16, s15, $0x38;
	[tilespmem:$0x2020] =	vst v63  }
0x1e: {  	p1 =	seq.s32 s10, $0x0  }
0x1f: {  	p2 =	sge.u32 @!p1 s10, s7  }
0x20: {  	p1 =	por p1, p2  }
.Ltmp2:
0x21: {  	_ = 	snop;
	(pc) =	sbr.rel @p1 .LBB1_5-.Ltmp2, $1  }
0x22: {  	_ =	sdelay $0x3  }
0x23: {  	p1 =	sgt.s32 s11, $0xF41C0;
	s12 =	smov.u32 s11;
	s13 =	sshra.s32 s11, $0x1F  }
0x24: {  	s12 =	simm.s32 @!p1 $0xF41C0;
	s13 =	sand.u32 s13, s11  }
0x25: {  	s12 =	ssub.s32 s12, s13  }
0x26: {  	s12 =	sadd.s32 $0xFFF0BE40, s12  }
0x27: {  	s29 =	sshll.u32 s12, $0x6  }
0x28: {  	s13 =	ssub.s32 $0x2000, s29  }
0x29: {  	p1 =	sgt.s32 s12, $0x7F;
	s12 =	sshrl.u32 s13, $0x2  }
0x2a: {  	s13 =	simm.s32 $0x1;
	s12 =	simm.s32 @p1 $0x0  }
0x2b: {  	s13 =	simm.s32 @!p0 $0x0;
	_ =	swait.ge [sflag:s5], s12  }
0x2c: {  	s14 =	sshll.u32 s13, $0xB;
	s12 =	ssub.s32 $0x0, s12;
	[sflag:s5] =	ssyncset.done $0x0  }
0x2d: {  	s15 =	sor.u32 $0x40, s14;
	[sflag:s5] =	ssyncadd.s32 s12  }
0x2e: {  	v1 =	vld [tilespmem:s15+$0x30]  }
0x2f: {  	s30 =	smul.u32 $0x2040, s13;
	v4 =	vld [tilespmem:s15+$0xFFFFFFD0]  }
0x30: {  	v5 =	vld [tilespmem:s15+$0xFFFFFFE0]  }
0x31: {  	s31 =	sand.u32 $0x1, s10;
	s12 =	sshrl.u32 s30, $0x2;
	v2 =	vld [tilespmem:s15+$0xFFFFFFF0]  }
0x32: {  	s13 =	smul.u32 $0x2040, s31;
	s12 =	sor.u32 $0x1007, s12;
	v3 =	vld [tilespmem:s15+$0x0]  }
0x33: {  	v0 =	vld [tilespmem:s15+$0x10];
	[tilespmem:s12+$0x0 ss:$0x81] =	vst.msk $0xffff, v1  }
0x34: {  	s13 =	sshrl.u32 s13, $0x2;
	[tilespmem:s12+$0xFFFFFFFA ss:$0x81] =	vst.msk $0xffff, v4;
	v4 =	vld [tilespmem:s15+$0x20]  }
0x35: {  	s14 =	simm.s32 $0x0;
	s13 =	sor.u32 $0x1000, s13;
	v1 =	vld [tilespmem:s15+$0xFFFFFFC0];
	[tilespmem:s12+$0xFFFFFFFB ss:$0x81] =	vst.msk $0xffff, v5;
	s15 =	sadd.s32 $0x80, s15  }
.LBB1_3:
0x36: {  	v5 =	vld [tilespmem:s15+$0x30];
	s14 =	sadd.s32 $0x8, s14;
	[tilespmem:s12+$0xFFFFFFFC ss:$0x81] =	vst.msk $0xffff, v2  }
0x37: {  	v6 =	vld [tilespmem:s15+$0xFFFFFFD0];
	p1 =	slt.u32 s14, $0x78;
	[tilespmem:s12+$0xFFFFFFFD ss:$0x81] =	vst.msk $0xffff, v3  }
0x38: {  	v7 =	vld [tilespmem:s15+$0xFFFFFFE0];
	[tilespmem:s12+$0xFFFFFFFE ss:$0x81] =	vst.msk $0xffff, v0  }
.Ltmp3:
0x39: {  	v2 =	vld [tilespmem:s15+$0xFFFFFFF0];
	[tilespmem:s12+$0xFFFFFFFF ss:$0x81] =	vst.msk $0xffff, v4;
	(pc) =	sbr.rel @p1 .LBB1_3-.Ltmp3, $4  }
0x3a: {  	v3 =	vld [tilespmem:s15+$0x0];
	[tilespmem:s12+$0xFFFFFFF9 ss:$0x81] =	vst.msk $0xffff, v1;
	s12 =	sadd.s32 $0x8, s12  }
0x3b: {  	v0 =	vld [tilespmem:s15+$0x10];
	[tilespmem:s12+$0x0 ss:$0x81] =	vst.msk $0xffff, v5  }
0x3c: {  	[tilespmem:s12+$0xFFFFFFFA ss:$0x81] =	vst.msk $0xffff, v6;
	v4 =	vld [tilespmem:s15+$0x20]  }
0x3d: {  	v1 =	vld [tilespmem:s15+$0xFFFFFFC0];
	[tilespmem:s12+$0xFFFFFFFB ss:$0x81] =	vst.msk $0xffff, v7;
	s15 =	sadd.s32 $0x80, s15  }
0x3e: {  	s14 =	sshll.u32 s11, $0x3  }
0x3f: {  	s30 =	sand.u32 $0x7F, s11;
	s14 =	sand.u32 $0xFFFFFC00, s14  }
0x40: {  	s11 =	sor.u32 s30, s14  }
0x41: {  	s15 =	smulhi.u32 $0x218D6287, s11;
	_ =	sdelay $0x1  }
0x42: {  	s14 =	smulhi.u32 $0x218D6287, s14;
	s15 =	sshrl.u32 s15, $0x11  }
0x43: {  	s15 =	smul.u32 $0xF4280, s15  }
0x44: {  	[tilespmem:s12+$0xFFFFFFFC ss:$0x81] =	vst.msk $0xffff, v2;
	s14 =	sshrl.u32 s14, $0x11  }
.Ltmp4:
0x45: {  	[tilespmem:s12+$0xFFFFFFFD ss:$0x81] =	vst.msk $0xffff, v3;
	s14 =	sand.u32 $0xF, s14;
	s11 =	ssub.s32 s11, s15;
	(pc) =	sbr.rel .LBB1_5-.Ltmp4, $4  }
0x46: {  	[tilespmem:s12+$0xFFFFFFFE ss:$0x81] =	vst.msk $0xffff, v0;
	s14 =	smul.u32 $0x1E850, s14;
	s15 =	sshrl.u32 s11, $0x3;
	s11 =	sand.u32 $0x7, s11  }
0x47: {  	[tilespmem:s12+$0xFFFFFFFF ss:$0x81] =	vst.msk $0xffff, v4;
	s15 =	sadd.s32 s2, s15;
	s11 =	sshll.u32 s11, $0x12  }
0x48: {  	[tilespmem:s12+$0xFFFFFFF9 ss:$0x81] =	vst.msk $0xffff, v1;
	s31 =	sadd.s32 s14, s15;
	s11 =	sor.u32 $0x400, s11  }
0x49: {  	[hbm4b:s31+s11] =	stream.strided.scatter [tilespmem:s13], [sflag:$0x2], $0x800, s8, s11, $0x20;
	[tilespmem:$0x2020] =	vst v63  }
.LBB1_6:
0x4a: {  	_ =	sfence.sel $0x180000  }
0x4b: {  	s2 =	simm.s32 $0x1;
	[bflag:$0x0] =	sbarrier.arrive $0xFFFF  }
0x4c: {  	s31 =	simm.s32 $0x2;
	[sflag:s2] =	ssyncpa.u1 $0x1  }
0x4d: {  	[sflag:s31] =	ssyncpa.u1 $0x1  }
0x4e: {  	p0 =	sne.s32 s1, $0x0;
	_ =	strace $0x9000004A  }
0x4f: {  	s0 =	sadd.s32 @!p0 $0x100000, s0;
	[bflag:$0x2] =	sbarrier.arrive $0xFFFF  }
0x50: {  	[sflag:s0] =	ssyncadd.tile.s32 @!p0 $0x1;
	_ =	shalt  }
.Lfunc_end1:
_tile_overlayer_lowered:
.L_overlay_start_2:
0x51: {  	(tag) =	ssettag $0x2  }
0x52: {  	s0 =	rddreg [dreg:$0x0];
	s2 =	stileid.u32  }
0x53: {  	s1 =	rddreg [dreg:$0x1];
	p0 =	sne.s32 s2, $0x0  }
0x54: {  	s3 =	rddreg [dreg:$0x2];
	[bflag:$0x3] =	sbarrier.arrive $0xFFFF;
	s2 =	simm.s32 @!p0 $0x1C01  }
0x55: {  	[timem:s3], [sflag:s2] =	dma.local @!p0 [hbm:s0], s1  }
0x56: {  	s0 =	simm.s32 @!p0 $0x1  }
0x57: {  	_ =	swait.ge @!p0 [sflag:s0], s1  }
0x58: {  	s1 =	ssub.s32 @!p0 $0x0, s1;
	[sflag:s0] =	ssyncset.done @!p0 $0x0  }
0x59: {  	[sflag:s0] =	ssyncadd.s32 @!p0 s1  }
0x5a: {  	[bflag:$0x3] =	sbarrier.arrive $0xFFFF  }
0x5b: {  	_ =	shalt  }

</sc_bundles>
